<compile_context>
chip_gen: v7x
topology: tpu7x:2x2x1
jax: 0.10.2.dev20260603
libtpu: 0.0.44.dev20260713+nightly
codegen_flags: <defaults>
</compile_context>

<pallas_src>
import functools

import jax
import jax.numpy as jnp
from jax import lax
from jax.experimental import pallas as pl
from jax.experimental.pallas import tpu as pltpu
from jax.experimental.pallas import tpu_sc as plsc

DICT_SIZE = 1000000
EMBED_DIM = 64
BATCH = 16384
HIST = 20
TOTAL = BATCH * HIST

NUM_CORES = 2
NUM_SUBCORES = 16
NW = NUM_CORES * NUM_SUBCORES

PER_W = TOTAL // NW
CHUNK = 128
NCHUNK = PER_W // CHUNK
PADW = 128
NSLOT = 5
LOOKAHEAD = 2

WBLK = 16384
NGRID = (DICT_SIZE + WBLK - 1) // WBLK

_mesh = plsc.VectorSubcoreMesh(core_axis_name="c", subcore_axis_name="s")


def _format_body(wt_ref, out_ref):
    out_ref[:, 0:EMBED_DIM] = jnp.swapaxes(wt_ref[...], 0, 1)


_table_format = pl.pallas_call(
    _format_body,
    grid=(NGRID,),
    in_specs=[pl.BlockSpec((EMBED_DIM, WBLK), lambda i: (0, i))],
    out_specs=pl.BlockSpec((WBLK, PADW), lambda i: (i, 0)),
    out_shape=jax.ShapeDtypeStruct((DICT_SIZE, PADW), jnp.float32),
)


@functools.partial(
    pl.kernel,
    out_type=jax.ShapeDtypeStruct((TOTAL, EMBED_DIM), jnp.float32),
    mesh=_mesh,
    scratch_types=[
        pltpu.VMEM((NCHUNK, CHUNK), jnp.int32),
        pltpu.VMEM((NSLOT, CHUNK, PADW), jnp.float32),
        pltpu.SemaphoreType.DMA,
        [pltpu.SemaphoreType.DMA] * NSLOT,
        [pltpu.SemaphoreType.DMA] * NSLOT,
    ],
    compiler_params=pltpu.CompilerParams(use_tc_tiling_on_sc=False),
)
def _emb_lookup(idx_hbm, table_hbm, out_hbm, idx_v, rows_v, isem, gsems, wsems):
    wid = lax.axis_index("s") * NUM_CORES + lax.axis_index("c")
    base = wid * PER_W

    pltpu.async_copy(idx_hbm.at[pl.ds(wid * NCHUNK, NCHUNK)], idx_v, isem).wait()

    for b in range(LOOKAHEAD):
        pltpu.async_copy(table_hbm.at[idx_v.at[b]], rows_v.at[b], gsems[b])

    @pl.loop(0, NCHUNK, step=NSLOT)
    def _group(g):
        for b in range(NSLOT):
            j = g + b
            jn = j + LOOKAHEAD
            bn = (b + LOOKAHEAD) % NSLOT

            @pl.when(jn < NCHUNK)
            def _():
                @pl.when(jn >= NSLOT)
                def _():
                    pltpu.make_async_copy(
                        rows_v.at[bn, :, pl.ds(0, EMBED_DIM)],
                        out_hbm.at[pl.ds(base, CHUNK)],
                        wsems[bn],
                    ).wait()

                pltpu.async_copy(table_hbm.at[idx_v.at[jn]], rows_v.at[bn], gsems[bn])

            pltpu.make_async_copy(
                table_hbm.at[idx_v.at[b]], rows_v.at[b], gsems[b]
            ).wait()
            pltpu.async_copy(
                rows_v.at[b, :, pl.ds(0, EMBED_DIM)],
                out_hbm.at[pl.ds(base + j * CHUNK, CHUNK)],
                wsems[b],
            )

    for b in range(NSLOT):
        pltpu.make_async_copy(
            rows_v.at[b, :, pl.ds(0, EMBED_DIM)],
            out_hbm.at[pl.ds(base, CHUNK)],
            wsems[b],
        ).wait()


def kernel(x, weight):
    idx2d = x.astype(jnp.int32).reshape(TOTAL // CHUNK, CHUNK)
    table = _table_format(weight.T)
    out = _emb_lookup(idx2d, table)
    return out.reshape(BATCH, HIST, EMBED_DIM)

# --- scband reference (transcript-rebuilt; emitter-appended) ---
"""Pipeline reference for scband-embedding-18373870092457 (READ-ONLY COPY).

The authoritative reference and input builder live on the scoring server;
editing this copy changes nothing except your own understanding.
"""

import jax, jax.numpy as jnp
import numpy as np

DICT_SIZE = 1000000
EMBED_DIM = 64
BATCH = 16384
HIST = 20

def setup_inputs(seed: int = 0) -> dict:
    key = jax.random.key(seed)
    k_idx, k_w = jax.random.split(key)
    x = jax.random.randint(k_idx, (BATCH, HIST), 0, DICT_SIZE, dtype=jnp.int64 if jax.config.jax_enable_x64 else jnp.int32)
    weight = jax.random.normal(k_w, (DICT_SIZE, EMBED_DIM), dtype=jnp.float32) * 0.02
    return {"x": x, "weight": weight}

def reference(x, weight):
    # ttnn.embedding == row gather from embedding table
    return jnp.take(weight, x, axis=0)

if __name__ == "__main__":
    import jax
    _d = setup_inputs()
    print(jax.jit(kernel)(*tuple(_d.values())))

</pallas_src>

<mosaic_0001>
#map = affine_map<(d0, d1) -> (0, 0)>
module attributes {stable_mosaic.version = 14 : i64} {
  func.func @_emb_lookup(%arg0: i32, %arg1: i32, %arg2: memref<2560x128xi32, #tpu.memory_space<hbm>>, %arg3: memref<1000000x128xf32, #tpu.memory_space<hbm>>, %arg4: memref<327680x64xf32, #tpu.memory_space<hbm>>, %arg5: memref<80x128xi32, #tpu.memory_space<vmem>>, %arg6: memref<5x128x128xf32, #tpu.memory_space<vmem>>, %arg7: memref<!tpu.dma_semaphore, #tpu.memory_space<semaphore_mem>>, %arg8: memref<!tpu.dma_semaphore, #tpu.memory_space<semaphore_mem>>, %arg9: memref<!tpu.dma_semaphore, #tpu.memory_space<semaphore_mem>>, %arg10: memref<!tpu.dma_semaphore, #tpu.memory_space<semaphore_mem>>, %arg11: memref<!tpu.dma_semaphore, #tpu.memory_space<semaphore_mem>>, %arg12: memref<!tpu.dma_semaphore, #tpu.memory_space<semaphore_mem>>, %arg13: memref<!tpu.dma_semaphore, #tpu.memory_space<semaphore_mem>>, %arg14: memref<!tpu.dma_semaphore, #tpu.memory_space<semaphore_mem>>, %arg15: memref<!tpu.dma_semaphore, #tpu.memory_space<semaphore_mem>>, %arg16: memref<!tpu.dma_semaphore, #tpu.memory_space<semaphore_mem>>, %arg17: memref<!tpu.dma_semaphore, #tpu.memory_space<semaphore_mem>>) attributes {dimension_semantics = [#tpu.dimension_semantics<core_parallel>, #tpu.dimension_semantics<subcore_parallel>], iteration_bounds = array<i64: 2, 16>, scalar_prefetch = 0 : i64, scratch_operands = 13 : i64, tpu.core_type = #tpu.core_type<sc_vector_subcore>, window_params = [{transform_indices = #map}, {transform_indices = #map}, {transform_indices = #map}]} {
    %mul3A = arith.constant 2 : i32
    %mul3A_0 = arith.muli %arg1, %mul3A : i32
    %add3A = arith.addi %mul3A_0, %arg0 : i32
    %mul3A_1 = arith.constant 10240 : i32
    %mul3A_2 = arith.muli %add3A, %mul3A_1 : i32
    %mul3A_3 = arith.constant 80 : i32
    %mul3A_4 = arith.muli %add3A, %mul3A_3 : i32
    %dma_start3A = arith.constant 0 : i32
    %dma_start3A_5 = tpu.memref_slice %arg2[%mul3A_4, %dma_start3A] : memref<2560x128xi32, #tpu.memory_space<hbm>> -> memref<80x128xi32, #tpu.memory_space<hbm>>
    %dma_start3A_6 = arith.constant 0 : i32
    %dma_start3A_7 = tpu.memref_slice %arg2[%mul3A_4, %dma_start3A_6] : memref<2560x128xi32, #tpu.memory_space<hbm>> -> memref<80x128xi32, #tpu.memory_space<hbm>>
    tpu.enqueue_dma source(%dma_start3A_7 : memref<80x128xi32, #tpu.memory_space<hbm>>) target(%arg5 : memref<80x128xi32, #tpu.memory_space<vmem>>) target_semaphore(%arg7 : memref<!tpu.dma_semaphore, #tpu.memory_space<semaphore_mem>>)
    %dma_wait3A = arith.constant 0 : i32
    %dma_wait3A_8 = tpu.memref_slice %arg2[%mul3A_4, %dma_wait3A] : memref<2560x128xi32, #tpu.memory_space<hbm>> -> memref<80x128xi32, #tpu.memory_space<hbm>>
    %dma_wait3A_9 = arith.constant 0 : i32
    %dma_wait3A_10 = tpu.memref_slice %arg2[%mul3A_4, %dma_wait3A_9] : memref<2560x128xi32, #tpu.memory_space<hbm>> -> memref<80x128xi32, #tpu.memory_space<hbm>>
    tpu.wait_dma2 semaphore(%arg7 : memref<!tpu.dma_semaphore, #tpu.memory_space<semaphore_mem>>) src(%dma_wait3A_10 : memref<80x128xi32, #tpu.memory_space<hbm>>) dst(%arg5 : memref<80x128xi32, #tpu.memory_space<vmem>>)
    %dma_start3A_11 = arith.constant 0 : i32
    %dma_start3A_12 = arith.constant 0 : i32
    %dma_start3A_13 = arith.constant 0 : i32
    %dma_start3A_14 = arith.constant 0 : i32
    %dma_start3A_15 = tpu.memref_slice %arg6[%dma_start3A_12, %dma_start3A_13, %dma_start3A_14] : memref<5x128x128xf32, #tpu.memory_space<vmem>> -> memref<1x128x128xf32, #tpu.memory_space<vmem>>
    %dma_start3A_16 = tpu.memref_squeeze %dma_start3A_15 : memref<1x128x128xf32, #tpu.memory_space<vmem>> -> memref<128x128xf32, #tpu.memory_space<vmem>>
    %dma_start3A_17 = arith.constant 0 : i32
    %dma_start3A_18 = tpu.memref_slice %arg5[%dma_start3A_11, %dma_start3A_17] : memref<80x128xi32, #tpu.memory_space<vmem>> -> memref<1x128xi32, #tpu.memory_space<vmem>>
    %dma_start3A_19 = tpu.memref_squeeze %dma_start3A_18 : memref<1x128xi32, #tpu.memory_space<vmem>> -> memref<128xi32, #tpu.memory_space<vmem>>
    %dma_start3A_20 = arith.constant 0 : i32
    %dma_start3A_21 = arith.constant 0 : i32
    %dma_start3A_22 = tpu.memref_slice %arg3[%dma_start3A_20, %dma_start3A_21] : memref<1000000x128xf32, #tpu.memory_space<hbm>> -> memref<1000000x128xf32, #tpu.memory_space<hbm>>
    tpu.enqueue_indirect_dma source(%dma_start3A_22 : memref<1000000x128xf32, #tpu.memory_space<hbm>>) target(%dma_start3A_16 : memref<128x128xf32, #tpu.memory_space<vmem>>) offsets(%dma_start3A_19 : memref<128xi32, #tpu.memory_space<vmem>>) semaphore(%arg8 : memref<!tpu.dma_semaphore, #tpu.memory_space<semaphore_mem>>)
    %dma_start3A_23 = arith.constant 1 : i32
    %dma_start3A_24 = arith.constant 1 : i32
    %dma_start3A_25 = arith.constant 0 : i32
    %dma_start3A_26 = arith.constant 0 : i32
    %dma_start3A_27 = tpu.memref_slice %arg6[%dma_start3A_24, %dma_start3A_25, %dma_start3A_26] : memref<5x128x128xf32, #tpu.memory_space<vmem>> -> memref<1x128x128xf32, #tpu.memory_space<vmem>>
    %dma_start3A_28 = tpu.memref_squeeze %dma_start3A_27 : memref<1x128x128xf32, #tpu.memory_space<vmem>> -> memref<128x128xf32, #tpu.memory_space<vmem>>
    %dma_start3A_29 = arith.constant 0 : i32
    %dma_start3A_30 = tpu.memref_slice %arg5[%dma_start3A_23, %dma_start3A_29] : memref<80x128xi32, #tpu.memory_space<vmem>> -> memref<1x128xi32, #tpu.memory_space<vmem>>
    %dma_start3A_31 = tpu.memref_squeeze %dma_start3A_30 : memref<1x128xi32, #tpu.memory_space<vmem>> -> memref<128xi32, #tpu.memory_space<vmem>>
    %dma_start3A_32 = arith.constant 0 : i32
    %dma_start3A_33 = arith.constant 0 : i32
    %dma_start3A_34 = tpu.memref_slice %arg3[%dma_start3A_32, %dma_start3A_33] : memref<1000000x128xf32, #tpu.memory_space<hbm>> -> memref<1000000x128xf32, #tpu.memory_space<hbm>>
    tpu.enqueue_indirect_dma source(%dma_start3A_34 : memref<1000000x128xf32, #tpu.memory_space<hbm>>) target(%dma_start3A_28 : memref<128x128xf32, #tpu.memory_space<vmem>>) offsets(%dma_start3A_31 : memref<128xi32, #tpu.memory_space<vmem>>) semaphore(%arg9 : memref<!tpu.dma_semaphore, #tpu.memory_space<semaphore_mem>>)
    %scan3A = arith.constant 0 : i32
    %scan3A_35 = arith.constant 16 : i32
    %scan3A_36 = arith.addi %scan3A, %scan3A_35 : i32
    %scan3A_37 = arith.constant 1 : i32
    scf.for %scan3A_104 = %scan3A to %scan3A_36 step %scan3A_37  : i32 {
      %mul3A_105 = arith.constant 5 : i32
      %mul3A_106 = arith.muli %scan3A_104, %mul3A_105 : i32
      %add3A_107 = arith.constant 0 : i32
      %add3A_108 = arith.addi %add3A_107, %mul3A_106 : i32
      %add3A_109 = arith.constant 0 : i32
      %add3A_110 = arith.addi %add3A_108, %add3A_109 : i32
      %add3A_111 = arith.constant 2 : i32
      %add3A_112 = arith.addi %add3A_110, %add3A_111 : i32
      %lt3A = arith.constant 80 : i32
      %lt3A_113 = arith.cmpi slt, %add3A_112, %lt3A : i32
      %convert_element_type3A = arith.extui %lt3A_113 : i1 to i32
      %cond3A = arith.constant 0 : i32
      %cond3A_114 = arith.cmpi ne, %convert_element_type3A, %cond3A : i32
      scf.if %cond3A_114 {
        %ge3A = arith.constant 5 : i32
        %ge3A_291 = arith.cmpi sge, %add3A_112, %ge3A : i32
        %convert_element_type3A_292 = arith.extui %ge3A_291 : i1 to i32
        %cond3A_293 = arith.constant 0 : i32
        %cond3A_294 = arith.cmpi ne, %convert_element_type3A_292, %cond3A_293 : i32
        scf.if %cond3A_294 {
          %dma_wait3A_306 = arith.constant 2 : i32
          %dma_wait3A_307 = arith.constant 0 : i32
          %dma_wait3A_308 = arith.constant 0 : i32
          %dma_wait3A_309 = tpu.memref_slice %arg6[%dma_wait3A_306, %dma_wait3A_307, %dma_wait3A_308] : memref<5x128x128xf32, #tpu.memory_space<vmem>> -> memref<1x128x64xf32, #tpu.memory_space<vmem>>
          %dma_wait3A_310 = tpu.memref_squeeze %dma_wait3A_309 : memref<1x128x64xf32, #tpu.memory_space<vmem>> -> memref<128x64xf32, #tpu.memory_space<vmem>>
          %dma_wait3A_311 = arith.constant 0 : i32
          %dma_wait3A_312 = tpu.memref_slice %arg4[%mul3A_2, %dma_wait3A_311] : memref<327680x64xf32, #tpu.memory_space<hbm>> -> memref<128x64xf32, #tpu.memory_space<hbm>>
          %dma_wait3A_313 = arith.constant 0 : i32
          %dma_wait3A_314 = tpu.memref_slice %arg4[%mul3A_2, %dma_wait3A_313] : memref<327680x64xf32, #tpu.memory_space<hbm>> -> memref<128x64xf32, #tpu.memory_space<hbm>>
          %dma_wait3A_315 = arith.constant 0 : i32
          %dma_wait3A_316 = arith.constant 0 : i32
          %dma_wait3A_317 = tpu.memref_slice %arg6[%dma_wait3A_306, %dma_wait3A_315, %dma_wait3A_316] : memref<5x128x128xf32, #tpu.memory_space<vmem>> -> memref<1x128x64xf32, #tpu.memory_space<vmem>>
          %dma_wait3A_318 = tpu.memref_squeeze %dma_wait3A_317 : memref<1x128x64xf32, #tpu.memory_space<vmem>> -> memref<128x64xf32, #tpu.memory_space<vmem>>
          tpu.wait_dma2 semaphore(%arg15 : memref<!tpu.dma_semaphore, #tpu.memory_space<semaphore_mem>>) src(%dma_wait3A_318 : memref<128x64xf32, #tpu.memory_space<vmem>>) dst(%dma_wait3A_314 : memref<128x64xf32, #tpu.memory_space<hbm>>)
        } else {
        }
        %dma_start3A_295 = arith.constant 2 : i32
        %dma_start3A_296 = arith.constant 0 : i32
        %dma_start3A_297 = arith.constant 0 : i32
        %dma_start3A_298 = tpu.memref_slice %arg6[%dma_start3A_295, %dma_start3A_296, %dma_start3A_297] : memref<5x128x128xf32, #tpu.memory_space<vmem>> -> memref<1x128x128xf32, #tpu.memory_space<vmem>>
        %dma_start3A_299 = tpu.memref_squeeze %dma_start3A_298 : memref<1x128x128xf32, #tpu.memory_space<vmem>> -> memref<128x128xf32, #tpu.memory_space<vmem>>
        %dma_start3A_300 = arith.constant 0 : i32
        %dma_start3A_301 = tpu.memref_slice %arg5[%add3A_112, %dma_start3A_300] : memref<80x128xi32, #tpu.memory_space<vmem>> -> memref<1x128xi32, #tpu.memory_space<vmem>>
        %dma_start3A_302 = tpu.memref_squeeze %dma_start3A_301 : memref<1x128xi32, #tpu.memory_space<vmem>> -> memref<128xi32, #tpu.memory_space<vmem>>
        %dma_start3A_303 = arith.constant 0 : i32
        %dma_start3A_304 = arith.constant 0 : i32
        %dma_start3A_305 = tpu.memref_slice %arg3[%dma_start3A_303, %dma_start3A_304] : memref<1000000x128xf32, #tpu.memory_space<hbm>> -> memref<1000000x128xf32, #tpu.memory_space<hbm>>
        tpu.enqueue_indirect_dma source(%dma_start3A_305 : memref<1000000x128xf32, #tpu.memory_space<hbm>>) target(%dma_start3A_299 : memref<128x128xf32, #tpu.memory_space<vmem>>) offsets(%dma_start3A_302 : memref<128xi32, #tpu.memory_space<vmem>>) semaphore(%arg10 : memref<!tpu.dma_semaphore, #tpu.memory_space<semaphore_mem>>)
      } else {
      }
      %dma_wait3A_115 = arith.constant 0 : i32
      %dma_wait3A_116 = arith.constant 0 : i32
      %dma_wait3A_117 = arith.constant 0 : i32
      %dma_wait3A_118 = arith.constant 0 : i32
      %dma_wait3A_119 = tpu.memref_slice %arg6[%dma_wait3A_116, %dma_wait3A_117, %dma_wait3A_118] : memref<5x128x128xf32, #tpu.memory_space<vmem>> -> memref<1x128x128xf32, #tpu.memory_space<vmem>>
      %dma_wait3A_120 = tpu.memref_squeeze %dma_wait3A_119 : memref<1x128x128xf32, #tpu.memory_space<vmem>> -> memref<128x128xf32, #tpu.memory_space<vmem>>
      %dma_wait3A_121 = arith.constant 0 : i32
      %dma_wait3A_122 = tpu.memref_slice %arg5[%dma_wait3A_115, %dma_wait3A_121] : memref<80x128xi32, #tpu.memory_space<vmem>> -> memref<1x128xi32, #tpu.memory_space<vmem>>
      %dma_wait3A_123 = tpu.memref_squeeze %dma_wait3A_122 : memref<1x128xi32, #tpu.memory_space<vmem>> -> memref<128xi32, #tpu.memory_space<vmem>>
      %dma_wait3A_124 = arith.constant 0 : i32
      %dma_wait3A_125 = arith.constant 0 : i32
      %dma_wait3A_126 = tpu.memref_slice %arg3[%dma_wait3A_124, %dma_wait3A_125] : memref<1000000x128xf32, #tpu.memory_space<hbm>> -> memref<1000000x128xf32, #tpu.memory_space<hbm>>
      tpu.wait_indirect_dma semaphore(%arg8 : memref<!tpu.dma_semaphore, #tpu.memory_space<semaphore_mem>>) src(%dma_wait3A_126 : memref<1000000x128xf32, #tpu.memory_space<hbm>>) dst(%dma_wait3A_120 : memref<128x128xf32, #tpu.memory_space<vmem>>)
      %mul3A_127 = arith.constant 128 : i32
      %mul3A_128 = arith.muli %add3A_110, %mul3A_127 : i32
      %add3A_129 = arith.addi %mul3A_2, %mul3A_128 : i32
      %dma_start3A_130 = arith.constant 0 : i32
      %dma_start3A_131 = arith.constant 0 : i32
      %dma_start3A_132 = arith.constant 0 : i32
      %dma_start3A_133 = tpu.memref_slice %arg6[%dma_start3A_130, %dma_start3A_131, %dma_start3A_132] : memref<5x128x128xf32, #tpu.memory_space<vmem>> -> memref<1x128x64xf32, #tpu.memory_space<vmem>>
      %dma_start3A_134 = tpu.memref_squeeze %dma_start3A_133 : memref<1x128x64xf32, #tpu.memory_space<vmem>> -> memref<128x64xf32, #tpu.memory_space<vmem>>
      %dma_start3A_135 = arith.constant 0 : i32
      %dma_start3A_136 = tpu.memref_slice %arg4[%add3A_129, %dma_start3A_135] : memref<327680x64xf32, #tpu.memory_space<hbm>> -> memref<128x64xf32, #tpu.memory_space<hbm>>
      %dma_start3A_137 = arith.constant 0 : i32
      %dma_start3A_138 = tpu.memref_slice %arg4[%add3A_129, %dma_start3A_137] : memref<327680x64xf32, #tpu.memory_space<hbm>> -> memref<128x64xf32, #tpu.memory_space<hbm>>
      %dma_start3A_139 = arith.constant 0 : i32
      %dma_start3A_140 = arith.constant 0 : i32
      %dma_start3A_141 = tpu.memref_slice %arg6[%dma_start3A_130, %dma_start3A_139, %dma_start3A_140] : memref<5x128x128xf32, #tpu.memory_space<vmem>> -> memref<1x128x64xf32, #tpu.memory_space<vmem>>
      %dma_start3A_142 = tpu.memref_squeeze %dma_start3A_141 : memref<1x128x64xf32, #tpu.memory_space<vmem>> -> memref<128x64xf32, #tpu.memory_space<vmem>>
      tpu.enqueue_dma source(%dma_start3A_142 : memref<128x64xf32, #tpu.memory_space<vmem>>) target(%dma_start3A_138 : memref<128x64xf32, #tpu.memory_space<hbm>>) target_semaphore(%arg13 : memref<!tpu.dma_semaphore, #tpu.memory_space<semaphore_mem>>)
      %add3A_143 = arith.constant 1 : i32
      %add3A_144 = arith.addi %add3A_108, %add3A_143 : i32
      %add3A_145 = arith.constant 2 : i32
      %add3A_146 = arith.addi %add3A_144, %add3A_145 : i32
      %lt3A_147 = arith.constant 80 : i32
      %lt3A_148 = arith.cmpi slt, %add3A_146, %lt3A_147 : i32
      %convert_element_type3A_149 = arith.extui %lt3A_148 : i1 to i32
      %cond3A_150 = arith.constant 0 : i32
      %cond3A_151 = arith.cmpi ne, %convert_element_type3A_149, %cond3A_150 : i32
      scf.if %cond3A_151 {
        %ge3A = arith.constant 5 : i32
        %ge3A_291 = arith.cmpi sge, %add3A_146, %ge3A : i32
        %convert_element_type3A_292 = arith.extui %ge3A_291 : i1 to i32
        %cond3A_293 = arith.constant 0 : i32
        %cond3A_294 = arith.cmpi ne, %convert_element_type3A_292, %cond3A_293 : i32
        scf.if %cond3A_294 {
          %dma_wait3A_306 = arith.constant 3 : i32
          %dma_wait3A_307 = arith.constant 0 : i32
          %dma_wait3A_308 = arith.constant 0 : i32
          %dma_wait3A_309 = tpu.memref_slice %arg6[%dma_wait3A_306, %dma_wait3A_307, %dma_wait3A_308] : memref<5x128x128xf32, #tpu.memory_space<vmem>> -> memref<1x128x64xf32, #tpu.memory_space<vmem>>
          %dma_wait3A_310 = tpu.memref_squeeze %dma_wait3A_309 : memref<1x128x64xf32, #tpu.memory_space<vmem>> -> memref<128x64xf32, #tpu.memory_space<vmem>>
          %dma_wait3A_311 = arith.constant 0 : i32
          %dma_wait3A_312 = tpu.memref_slice %arg4[%mul3A_2, %dma_wait3A_311] : memref<327680x64xf32, #tpu.memory_space<hbm>> -> memref<128x64xf32, #tpu.memory_space<hbm>>
          %dma_wait3A_313 = arith.constant 0 : i32
          %dma_wait3A_314 = tpu.memref_slice %arg4[%mul3A_2, %dma_wait3A_313] : memref<327680x64xf32, #tpu.memory_space<hbm>> -> memref<128x64xf32, #tpu.memory_space<hbm>>
          %dma_wait3A_315 = arith.constant 0 : i32
          %dma_wait3A_316 = arith.constant 0 : i32
          %dma_wait3A_317 = tpu.memref_slice %arg6[%dma_wait3A_306, %dma_wait3A_315, %dma_wait3A_316] : memref<5x128x128xf32, #tpu.memory_space<vmem>> -> memref<1x128x64xf32, #tpu.memory_space<vmem>>
          %dma_wait3A_318 = tpu.memref_squeeze %dma_wait3A_317 : memref<1x128x64xf32, #tpu.memory_space<vmem>> -> memref<128x64xf32, #tpu.memory_space<vmem>>
          tpu.wait_dma2 semaphore(%arg16 : memref<!tpu.dma_semaphore, #tpu.memory_space<semaphore_mem>>) src(%dma_wait3A_318 : memref<128x64xf32, #tpu.memory_space<vmem>>) dst(%dma_wait3A_314 : memref<128x64xf32, #tpu.memory_space<hbm>>)
        } else {
        }
        %dma_start3A_295 = arith.constant 3 : i32
        %dma_start3A_296 = arith.constant 0 : i32
        %dma_start3A_297 = arith.constant 0 : i32
        %dma_start3A_298 = tpu.memref_slice %arg6[%dma_start3A_295, %dma_start3A_296, %dma_start3A_297] : memref<5x128x128xf32, #tpu.memory_space<vmem>> -> memref<1x128x128xf32, #tpu.memory_space<vmem>>
        %dma_start3A_299 = tpu.memref_squeeze %dma_start3A_298 : memref<1x128x128xf32, #tpu.memory_space<vmem>> -> memref<128x128xf32, #tpu.memory_space<vmem>>
        %dma_start3A_300 = arith.constant 0 : i32
        %dma_start3A_301 = tpu.memref_slice %arg5[%add3A_146, %dma_start3A_300] : memref<80x128xi32, #tpu.memory_space<vmem>> -> memref<1x128xi32, #tpu.memory_space<vmem>>
        %dma_start3A_302 = tpu.memref_squeeze %dma_start3A_301 : memref<1x128xi32, #tpu.memory_space<vmem>> -> memref<128xi32, #tpu.memory_space<vmem>>
        %dma_start3A_303 = arith.constant 0 : i32
        %dma_start3A_304 = arith.constant 0 : i32
        %dma_start3A_305 = tpu.memref_slice %arg3[%dma_start3A_303, %dma_start3A_304] : memref<1000000x128xf32, #tpu.memory_space<hbm>> -> memref<1000000x128xf32, #tpu.memory_space<hbm>>
        tpu.enqueue_indirect_dma source(%dma_start3A_305 : memref<1000000x128xf32, #tpu.memory_space<hbm>>) target(%dma_start3A_299 : memref<128x128xf32, #tpu.memory_space<vmem>>) offsets(%dma_start3A_302 : memref<128xi32, #tpu.memory_space<vmem>>) semaphore(%arg11 : memref<!tpu.dma_semaphore, #tpu.memory_space<semaphore_mem>>)
      } else {
      }
      %dma_wait3A_152 = arith.constant 1 : i32
      %dma_wait3A_153 = arith.constant 1 : i32
      %dma_wait3A_154 = arith.constant 0 : i32
      %dma_wait3A_155 = arith.constant 0 : i32
      %dma_wait3A_156 = tpu.memref_slice %arg6[%dma_wait3A_153, %dma_wait3A_154, %dma_wait3A_155] : memref<5x128x128xf32, #tpu.memory_space<vmem>> -> memref<1x128x128xf32, #tpu.memory_space<vmem>>
      %dma_wait3A_157 = tpu.memref_squeeze %dma_wait3A_156 : memref<1x128x128xf32, #tpu.memory_space<vmem>> -> memref<128x128xf32, #tpu.memory_space<vmem>>
      %dma_wait3A_158 = arith.constant 0 : i32
      %dma_wait3A_159 = tpu.memref_slice %arg5[%dma_wait3A_152, %dma_wait3A_158] : memref<80x128xi32, #tpu.memory_space<vmem>> -> memref<1x128xi32, #tpu.memory_space<vmem>>
      %dma_wait3A_160 = tpu.memref_squeeze %dma_wait3A_159 : memref<1x128xi32, #tpu.memory_space<vmem>> -> memref<128xi32, #tpu.memory_space<vmem>>
      %dma_wait3A_161 = arith.constant 0 : i32
      %dma_wait3A_162 = arith.constant 0 : i32
      %dma_wait3A_163 = tpu.memref_slice %arg3[%dma_wait3A_161, %dma_wait3A_162] : memref<1000000x128xf32, #tpu.memory_space<hbm>> -> memref<1000000x128xf32, #tpu.memory_space<hbm>>
      tpu.wait_indirect_dma semaphore(%arg9 : memref<!tpu.dma_semaphore, #tpu.memory_space<semaphore_mem>>) src(%dma_wait3A_163 : memref<1000000x128xf32, #tpu.memory_space<hbm>>) dst(%dma_wait3A_157 : memref<128x128xf32, #tpu.memory_space<vmem>>)
      %mul3A_164 = arith.constant 128 : i32
      %mul3A_165 = arith.muli %add3A_144, %mul3A_164 : i32
      %add3A_166 = arith.addi %mul3A_2, %mul3A_165 : i32
      %dma_start3A_167 = arith.constant 1 : i32
      %dma_start3A_168 = arith.constant 0 : i32
      %dma_start3A_169 = arith.constant 0 : i32
      %dma_start3A_170 = tpu.memref_slice %arg6[%dma_start3A_167, %dma_start3A_168, %dma_start3A_169] : memref<5x128x128xf32, #tpu.memory_space<vmem>> -> memref<1x128x64xf32, #tpu.memory_space<vmem>>
      %dma_start3A_171 = tpu.memref_squeeze %dma_start3A_170 : memref<1x128x64xf32, #tpu.memory_space<vmem>> -> memref<128x64xf32, #tpu.memory_space<vmem>>
      %dma_start3A_172 = arith.constant 0 : i32
      %dma_start3A_173 = tpu.memref_slice %arg4[%add3A_166, %dma_start3A_172] : memref<327680x64xf32, #tpu.memory_space<hbm>> -> memref<128x64xf32, #tpu.memory_space<hbm>>
      %dma_start3A_174 = arith.constant 0 : i32
      %dma_start3A_175 = tpu.memref_slice %arg4[%add3A_166, %dma_start3A_174] : memref<327680x64xf32, #tpu.memory_space<hbm>> -> memref<128x64xf32, #tpu.memory_space<hbm>>
      %dma_start3A_176 = arith.constant 0 : i32
      %dma_start3A_177 = arith.constant 0 : i32
      %dma_start3A_178 = tpu.memref_slice %arg6[%dma_start3A_167, %dma_start3A_176, %dma_start3A_177] : memref<5x128x128xf32, #tpu.memory_space<vmem>> -> memref<1x128x64xf32, #tpu.memory_space<vmem>>
      %dma_start3A_179 = tpu.memref_squeeze %dma_start3A_178 : memref<1x128x64xf32, #tpu.memory_space<vmem>> -> memref<128x64xf32, #tpu.memory_space<vmem>>
      tpu.enqueue_dma source(%dma_start3A_179 : memref<128x64xf32, #tpu.memory_space<vmem>>) target(%dma_start3A_175 : memref<128x64xf32, #tpu.memory_space<hbm>>) target_semaphore(%arg14 : memref<!tpu.dma_semaphore, #tpu.memory_space<semaphore_mem>>)
      %add3A_180 = arith.constant 2 : i32
      %add3A_181 = arith.addi %add3A_108, %add3A_180 : i32
      %add3A_182 = arith.constant 2 : i32
      %add3A_183 = arith.addi %add3A_181, %add3A_182 : i32
      %lt3A_184 = arith.constant 80 : i32
      %lt3A_185 = arith.cmpi slt, %add3A_183, %lt3A_184 : i32
      %convert_element_type3A_186 = arith.extui %lt3A_185 : i1 to i32
      %cond3A_187 = arith.constant 0 : i32
      %cond3A_188 = arith.cmpi ne, %convert_element_type3A_186, %cond3A_187 : i32
      scf.if %cond3A_188 {
        %ge3A = arith.constant 5 : i32
        %ge3A_291 = arith.cmpi sge, %add3A_183, %ge3A : i32
        %convert_element_type3A_292 = arith.extui %ge3A_291 : i1 to i32
        %cond3A_293 = arith.constant 0 : i32
        %cond3A_294 = arith.cmpi ne, %convert_element_type3A_292, %cond3A_293 : i32
        scf.if %cond3A_294 {
          %dma_wait3A_306 = arith.constant 4 : i32
          %dma_wait3A_307 = arith.constant 0 : i32
          %dma_wait3A_308 = arith.constant 0 : i32
          %dma_wait3A_309 = tpu.memref_slice %arg6[%dma_wait3A_306, %dma_wait3A_307, %dma_wait3A_308] : memref<5x128x128xf32, #tpu.memory_space<vmem>> -> memref<1x128x64xf32, #tpu.memory_space<vmem>>
          %dma_wait3A_310 = tpu.memref_squeeze %dma_wait3A_309 : memref<1x128x64xf32, #tpu.memory_space<vmem>> -> memref<128x64xf32, #tpu.memory_space<vmem>>
          %dma_wait3A_311 = arith.constant 0 : i32
          %dma_wait3A_312 = tpu.memref_slice %arg4[%mul3A_2, %dma_wait3A_311] : memref<327680x64xf32, #tpu.memory_space<hbm>> -> memref<128x64xf32, #tpu.memory_space<hbm>>
          %dma_wait3A_313 = arith.constant 0 : i32
          %dma_wait3A_314 = tpu.memref_slice %arg4[%mul3A_2, %dma_wait3A_313] : memref<327680x64xf32, #tpu.memory_space<hbm>> -> memref<128x64xf32, #tpu.memory_space<hbm>>
          %dma_wait3A_315 = arith.constant 0 : i32
          %dma_wait3A_316 = arith.constant 0 : i32
          %dma_wait3A_317 = tpu.memref_slice %arg6[%dma_wait3A_306, %dma_wait3A_315, %dma_wait3A_316] : memref<5x128x128xf32, #tpu.memory_space<vmem>> -> memref<1x128x64xf32, #tpu.memory_space<vmem>>
          %dma_wait3A_318 = tpu.memref_squeeze %dma_wait3A_317 : memref<1x128x64xf32, #tpu.memory_space<vmem>> -> memref<128x64xf32, #tpu.memory_space<vmem>>
          tpu.wait_dma2 semaphore(%arg17 : memref<!tpu.dma_semaphore, #tpu.memory_space<semaphore_mem>>) src(%dma_wait3A_318 : memref<128x64xf32, #tpu.memory_space<vmem>>) dst(%dma_wait3A_314 : memref<128x64xf32, #tpu.memory_space<hbm>>)
        } else {
        }
        %dma_start3A_295 = arith.constant 4 : i32
        %dma_start3A_296 = arith.constant 0 : i32
        %dma_start3A_297 = arith.constant 0 : i32
        %dma_start3A_298 = tpu.memref_slice %arg6[%dma_start3A_295, %dma_start3A_296, %dma_start3A_297] : memref<5x128x128xf32, #tpu.memory_space<vmem>> -> memref<1x128x128xf32, #tpu.memory_space<vmem>>
        %dma_start3A_299 = tpu.memref_squeeze %dma_start3A_298 : memref<1x128x128xf32, #tpu.memory_space<vmem>> -> memref<128x128xf32, #tpu.memory_space<vmem>>
        %dma_start3A_300 = arith.constant 0 : i32
        %dma_start3A_301 = tpu.memref_slice %arg5[%add3A_183, %dma_start3A_300] : memref<80x128xi32, #tpu.memory_space<vmem>> -> memref<1x128xi32, #tpu.memory_space<vmem>>
        %dma_start3A_302 = tpu.memref_squeeze %dma_start3A_301 : memref<1x128xi32, #tpu.memory_space<vmem>> -> memref<128xi32, #tpu.memory_space<vmem>>
        %dma_start3A_303 = arith.constant 0 : i32
        %dma_start3A_304 = arith.constant 0 : i32
        %dma_start3A_305 = tpu.memref_slice %arg3[%dma_start3A_303, %dma_start3A_304] : memref<1000000x128xf32, #tpu.memory_space<hbm>> -> memref<1000000x128xf32, #tpu.memory_space<hbm>>
        tpu.enqueue_indirect_dma source(%dma_start3A_305 : memref<1000000x128xf32, #tpu.memory_space<hbm>>) target(%dma_start3A_299 : memref<128x128xf32, #tpu.memory_space<vmem>>) offsets(%dma_start3A_302 : memref<128xi32, #tpu.memory_space<vmem>>) semaphore(%arg12 : memref<!tpu.dma_semaphore, #tpu.memory_space<semaphore_mem>>)
      } else {
      }
      %dma_wait3A_189 = arith.constant 2 : i32
      %dma_wait3A_190 = arith.constant 2 : i32
      %dma_wait3A_191 = arith.constant 0 : i32
      %dma_wait3A_192 = arith.constant 0 : i32
      %dma_wait3A_193 = tpu.memref_slice %arg6[%dma_wait3A_190, %dma_wait3A_191, %dma_wait3A_192] : memref<5x128x128xf32, #tpu.memory_space<vmem>> -> memref<1x128x128xf32, #tpu.memory_space<vmem>>
      %dma_wait3A_194 = tpu.memref_squeeze %dma_wait3A_193 : memref<1x128x128xf32, #tpu.memory_space<vmem>> -> memref<128x128xf32, #tpu.memory_space<vmem>>
      %dma_wait3A_195 = arith.constant 0 : i32
      %dma_wait3A_196 = tpu.memref_slice %arg5[%dma_wait3A_189, %dma_wait3A_195] : memref<80x128xi32, #tpu.memory_space<vmem>> -> memref<1x128xi32, #tpu.memory_space<vmem>>
      %dma_wait3A_197 = tpu.memref_squeeze %dma_wait3A_196 : memref<1x128xi32, #tpu.memory_space<vmem>> -> memref<128xi32, #tpu.memory_space<vmem>>
      %dma_wait3A_198 = arith.constant 0 : i32
      %dma_wait3A_199 = arith.constant 0 : i32
      %dma_wait3A_200 = tpu.memref_slice %arg3[%dma_wait3A_198, %dma_wait3A_199] : memref<1000000x128xf32, #tpu.memory_space<hbm>> -> memref<1000000x128xf32, #tpu.memory_space<hbm>>
      tpu.wait_indirect_dma semaphore(%arg10 : memref<!tpu.dma_semaphore, #tpu.memory_space<semaphore_mem>>) src(%dma_wait3A_200 : memref<1000000x128xf32, #tpu.memory_space<hbm>>) dst(%dma_wait3A_194 : memref<128x128xf32, #tpu.memory_space<vmem>>)
      %mul3A_201 = arith.constant 128 : i32
      %mul3A_202 = arith.muli %add3A_181, %mul3A_201 : i32
      %add3A_203 = arith.addi %mul3A_2, %mul3A_202 : i32
      %dma_start3A_204 = arith.constant 2 : i32
      %dma_start3A_205 = arith.constant 0 : i32
      %dma_start3A_206 = arith.constant 0 : i32
      %dma_start3A_207 = tpu.memref_slice %arg6[%dma_start3A_204, %dma_start3A_205, %dma_start3A_206] : memref<5x128x128xf32, #tpu.memory_space<vmem>> -> memref<1x128x64xf32, #tpu.memory_space<vmem>>
      %dma_start3A_208 = tpu.memref_squeeze %dma_start3A_207 : memref<1x128x64xf32, #tpu.memory_space<vmem>> -> memref<128x64xf32, #tpu.memory_space<vmem>>
      %dma_start3A_209 = arith.constant 0 : i32
      %dma_start3A_210 = tpu.memref_slice %arg4[%add3A_203, %dma_start3A_209] : memref<327680x64xf32, #tpu.memory_space<hbm>> -> memref<128x64xf32, #tpu.memory_space<hbm>>
      %dma_start3A_211 = arith.constant 0 : i32
      %dma_start3A_212 = tpu.memref_slice %arg4[%add3A_203, %dma_start3A_211] : memref<327680x64xf32, #tpu.memory_space<hbm>> -> memref<128x64xf32, #tpu.memory_space<hbm>>
      %dma_start3A_213 = arith.constant 0 : i32
      %dma_start3A_214 = arith.constant 0 : i32
      %dma_start3A_215 = tpu.memref_slice %arg6[%dma_start3A_204, %dma_start3A_213, %dma_start3A_214] : memref<5x128x128xf32, #tpu.memory_space<vmem>> -> memref<1x128x64xf32, #tpu.memory_space<vmem>>
      %dma_start3A_216 = tpu.memref_squeeze %dma_start3A_215 : memref<1x128x64xf32, #tpu.memory_space<vmem>> -> memref<128x64xf32, #tpu.memory_space<vmem>>
      tpu.enqueue_dma source(%dma_start3A_216 : memref<128x64xf32, #tpu.memory_space<vmem>>) target(%dma_start3A_212 : memref<128x64xf32, #tpu.memory_space<hbm>>) target_semaphore(%arg15 : memref<!tpu.dma_semaphore, #tpu.memory_space<semaphore_mem>>)
      %add3A_217 = arith.constant 3 : i32
      %add3A_218 = arith.addi %add3A_108, %add3A_217 : i32
      %add3A_219 = arith.constant 2 : i32
      %add3A_220 = arith.addi %add3A_218, %add3A_219 : i32
      %lt3A_221 = arith.constant 80 : i32
      %lt3A_222 = arith.cmpi slt, %add3A_220, %lt3A_221 : i32
      %convert_element_type3A_223 = arith.extui %lt3A_222 : i1 to i32
      %cond3A_224 = arith.constant 0 : i32
      %cond3A_225 = arith.cmpi ne, %convert_element_type3A_223, %cond3A_224 : i32
      scf.if %cond3A_225 {
        %ge3A = arith.constant 5 : i32
        %ge3A_291 = arith.cmpi sge, %add3A_220, %ge3A : i32
        %convert_element_type3A_292 = arith.extui %ge3A_291 : i1 to i32
        %cond3A_293 = arith.constant 0 : i32
        %cond3A_294 = arith.cmpi ne, %convert_element_type3A_292, %cond3A_293 : i32
        scf.if %cond3A_294 {
          %dma_wait3A_306 = arith.constant 0 : i32
          %dma_wait3A_307 = arith.constant 0 : i32
          %dma_wait3A_308 = arith.constant 0 : i32
          %dma_wait3A_309 = tpu.memref_slice %arg6[%dma_wait3A_306, %dma_wait3A_307, %dma_wait3A_308] : memref<5x128x128xf32, #tpu.memory_space<vmem>> -> memref<1x128x64xf32, #tpu.memory_space<vmem>>
          %dma_wait3A_310 = tpu.memref_squeeze %dma_wait3A_309 : memref<1x128x64xf32, #tpu.memory_space<vmem>> -> memref<128x64xf32, #tpu.memory_space<vmem>>
          %dma_wait3A_311 = arith.constant 0 : i32
          %dma_wait3A_312 = tpu.memref_slice %arg4[%mul3A_2, %dma_wait3A_311] : memref<327680x64xf32, #tpu.memory_space<hbm>> -> memref<128x64xf32, #tpu.memory_space<hbm>>
          %dma_wait3A_313 = arith.constant 0 : i32
          %dma_wait3A_314 = tpu.memref_slice %arg4[%mul3A_2, %dma_wait3A_313] : memref<327680x64xf32, #tpu.memory_space<hbm>> -> memref<128x64xf32, #tpu.memory_space<hbm>>
          %dma_wait3A_315 = arith.constant 0 : i32
          %dma_wait3A_316 = arith.constant 0 : i32
          %dma_wait3A_317 = tpu.memref_slice %arg6[%dma_wait3A_306, %dma_wait3A_315, %dma_wait3A_316] : memref<5x128x128xf32, #tpu.memory_space<vmem>> -> memref<1x128x64xf32, #tpu.memory_space<vmem>>
          %dma_wait3A_318 = tpu.memref_squeeze %dma_wait3A_317 : memref<1x128x64xf32, #tpu.memory_space<vmem>> -> memref<128x64xf32, #tpu.memory_space<vmem>>
          tpu.wait_dma2 semaphore(%arg13 : memref<!tpu.dma_semaphore, #tpu.memory_space<semaphore_mem>>) src(%dma_wait3A_318 : memref<128x64xf32, #tpu.memory_space<vmem>>) dst(%dma_wait3A_314 : memref<128x64xf32, #tpu.memory_space<hbm>>)
        } else {
        }
        %dma_start3A_295 = arith.constant 0 : i32
        %dma_start3A_296 = arith.constant 0 : i32
        %dma_start3A_297 = arith.constant 0 : i32
        %dma_start3A_298 = tpu.memref_slice %arg6[%dma_start3A_295, %dma_start3A_296, %dma_start3A_297] : memref<5x128x128xf32, #tpu.memory_space<vmem>> -> memref<1x128x128xf32, #tpu.memory_space<vmem>>
        %dma_start3A_299 = tpu.memref_squeeze %dma_start3A_298 : memref<1x128x128xf32, #tpu.memory_space<vmem>> -> memref<128x128xf32, #tpu.memory_space<vmem>>
        %dma_start3A_300 = arith.constant 0 : i32
        %dma_start3A_301 = tpu.memref_slice %arg5[%add3A_220, %dma_start3A_300] : memref<80x128xi32, #tpu.memory_space<vmem>> -> memref<1x128xi32, #tpu.memory_space<vmem>>
        %dma_start3A_302 = tpu.memref_squeeze %dma_start3A_301 : memref<1x128xi32, #tpu.memory_space<vmem>> -> memref<128xi32, #tpu.memory_space<vmem>>
        %dma_start3A_303 = arith.constant 0 : i32
        %dma_start3A_304 = arith.constant 0 : i32
        %dma_start3A_305 = tpu.memref_slice %arg3[%dma_start3A_303, %dma_start3A_304] : memref<1000000x128xf32, #tpu.memory_space<hbm>> -> memref<1000000x128xf32, #tpu.memory_space<hbm>>
        tpu.enqueue_indirect_dma source(%dma_start3A_305 : memref<1000000x128xf32, #tpu.memory_space<hbm>>) target(%dma_start3A_299 : memref<128x128xf32, #tpu.memory_space<vmem>>) offsets(%dma_start3A_302 : memref<128xi32, #tpu.memory_space<vmem>>) semaphore(%arg8 : memref<!tpu.dma_semaphore, #tpu.memory_space<semaphore_mem>>)
      } else {
      }
      %dma_wait3A_226 = arith.constant 3 : i32
      %dma_wait3A_227 = arith.constant 3 : i32
      %dma_wait3A_228 = arith.constant 0 : i32
      %dma_wait3A_229 = arith.constant 0 : i32
      %dma_wait3A_230 = tpu.memref_slice %arg6[%dma_wait3A_227, %dma_wait3A_228, %dma_wait3A_229] : memref<5x128x128xf32, #tpu.memory_space<vmem>> -> memref<1x128x128xf32, #tpu.memory_space<vmem>>
      %dma_wait3A_231 = tpu.memref_squeeze %dma_wait3A_230 : memref<1x128x128xf32, #tpu.memory_space<vmem>> -> memref<128x128xf32, #tpu.memory_space<vmem>>
      %dma_wait3A_232 = arith.constant 0 : i32
      %dma_wait3A_233 = tpu.memref_slice %arg5[%dma_wait3A_226, %dma_wait3A_232] : memref<80x128xi32, #tpu.memory_space<vmem>> -> memref<1x128xi32, #tpu.memory_space<vmem>>
      %dma_wait3A_234 = tpu.memref_squeeze %dma_wait3A_233 : memref<1x128xi32, #tpu.memory_space<vmem>> -> memref<128xi32, #tpu.memory_space<vmem>>
      %dma_wait3A_235 = arith.constant 0 : i32
      %dma_wait3A_236 = arith.constant 0 : i32
      %dma_wait3A_237 = tpu.memref_slice %arg3[%dma_wait3A_235, %dma_wait3A_236] : memref<1000000x128xf32, #tpu.memory_space<hbm>> -> memref<1000000x128xf32, #tpu.memory_space<hbm>>
      tpu.wait_indirect_dma semaphore(%arg11 : memref<!tpu.dma_semaphore, #tpu.memory_space<semaphore_mem>>) src(%dma_wait3A_237 : memref<1000000x128xf32, #tpu.memory_space<hbm>>) dst(%dma_wait3A_231 : memref<128x128xf32, #tpu.memory_space<vmem>>)
      %mul3A_238 = arith.constant 128 : i32
      %mul3A_239 = arith.muli %add3A_218, %mul3A_238 : i32
      %add3A_240 = arith.addi %mul3A_2, %mul3A_239 : i32
      %dma_start3A_241 = arith.constant 3 : i32
      %dma_start3A_242 = arith.constant 0 : i32
      %dma_start3A_243 = arith.constant 0 : i32
      %dma_start3A_244 = tpu.memref_slice %arg6[%dma_start3A_241, %dma_start3A_242, %dma_start3A_243] : memref<5x128x128xf32, #tpu.memory_space<vmem>> -> memref<1x128x64xf32, #tpu.memory_space<vmem>>
      %dma_start3A_245 = tpu.memref_squeeze %dma_start3A_244 : memref<1x128x64xf32, #tpu.memory_space<vmem>> -> memref<128x64xf32, #tpu.memory_space<vmem>>
      %dma_start3A_246 = arith.constant 0 : i32
      %dma_start3A_247 = tpu.memref_slice %arg4[%add3A_240, %dma_start3A_246] : memref<327680x64xf32, #tpu.memory_space<hbm>> -> memref<128x64xf32, #tpu.memory_space<hbm>>
      %dma_start3A_248 = arith.constant 0 : i32
      %dma_start3A_249 = tpu.memref_slice %arg4[%add3A_240, %dma_start3A_248] : memref<327680x64xf32, #tpu.memory_space<hbm>> -> memref<128x64xf32, #tpu.memory_space<hbm>>
      %dma_start3A_250 = arith.constant 0 : i32
      %dma_start3A_251 = arith.constant 0 : i32
      %dma_start3A_252 = tpu.memref_slice %arg6[%dma_start3A_241, %dma_start3A_250, %dma_start3A_251] : memref<5x128x128xf32, #tpu.memory_space<vmem>> -> memref<1x128x64xf32, #tpu.memory_space<vmem>>
      %dma_start3A_253 = tpu.memref_squeeze %dma_start3A_252 : memref<1x128x64xf32, #tpu.memory_space<vmem>> -> memref<128x64xf32, #tpu.memory_space<vmem>>
      tpu.enqueue_dma source(%dma_start3A_253 : memref<128x64xf32, #tpu.memory_space<vmem>>) target(%dma_start3A_249 : memref<128x64xf32, #tpu.memory_space<hbm>>) target_semaphore(%arg16 : memref<!tpu.dma_semaphore, #tpu.memory_space<semaphore_mem>>)
      %add3A_254 = arith.constant 4 : i32
      %add3A_255 = arith.addi %add3A_108, %add3A_254 : i32
      %add3A_256 = arith.constant 2 : i32
      %add3A_257 = arith.addi %add3A_255, %add3A_256 : i32
      %lt3A_258 = arith.constant 80 : i32
      %lt3A_259 = arith.cmpi slt, %add3A_257, %lt3A_258 : i32
      %convert_element_type3A_260 = arith.extui %lt3A_259 : i1 to i32
      %cond3A_261 = arith.constant 0 : i32
      %cond3A_262 = arith.cmpi ne, %convert_element_type3A_260, %cond3A_261 : i32
      scf.if %cond3A_262 {
        %ge3A = arith.constant 5 : i32
        %ge3A_291 = arith.cmpi sge, %add3A_257, %ge3A : i32
        %convert_element_type3A_292 = arith.extui %ge3A_291 : i1 to i32
        %cond3A_293 = arith.constant 0 : i32
        %cond3A_294 = arith.cmpi ne, %convert_element_type3A_292, %cond3A_293 : i32
        scf.if %cond3A_294 {
          %dma_wait3A_306 = arith.constant 1 : i32
          %dma_wait3A_307 = arith.constant 0 : i32
          %dma_wait3A_308 = arith.constant 0 : i32
          %dma_wait3A_309 = tpu.memref_slice %arg6[%dma_wait3A_306, %dma_wait3A_307, %dma_wait3A_308] : memref<5x128x128xf32, #tpu.memory_space<vmem>> -> memref<1x128x64xf32, #tpu.memory_space<vmem>>
          %dma_wait3A_310 = tpu.memref_squeeze %dma_wait3A_309 : memref<1x128x64xf32, #tpu.memory_space<vmem>> -> memref<128x64xf32, #tpu.memory_space<vmem>>
          %dma_wait3A_311 = arith.constant 0 : i32
          %dma_wait3A_312 = tpu.memref_slice %arg4[%mul3A_2, %dma_wait3A_311] : memref<327680x64xf32, #tpu.memory_space<hbm>> -> memref<128x64xf32, #tpu.memory_space<hbm>>
          %dma_wait3A_313 = arith.constant 0 : i32
          %dma_wait3A_314 = tpu.memref_slice %arg4[%mul3A_2, %dma_wait3A_313] : memref<327680x64xf32, #tpu.memory_space<hbm>> -> memref<128x64xf32, #tpu.memory_space<hbm>>
          %dma_wait3A_315 = arith.constant 0 : i32
          %dma_wait3A_316 = arith.constant 0 : i32
          %dma_wait3A_317 = tpu.memref_slice %arg6[%dma_wait3A_306, %dma_wait3A_315, %dma_wait3A_316] : memref<5x128x128xf32, #tpu.memory_space<vmem>> -> memref<1x128x64xf32, #tpu.memory_space<vmem>>
          %dma_wait3A_318 = tpu.memref_squeeze %dma_wait3A_317 : memref<1x128x64xf32, #tpu.memory_space<vmem>> -> memref<128x64xf32, #tpu.memory_space<vmem>>
          tpu.wait_dma2 semaphore(%arg14 : memref<!tpu.dma_semaphore, #tpu.memory_space<semaphore_mem>>) src(%dma_wait3A_318 : memref<128x64xf32, #tpu.memory_space<vmem>>) dst(%dma_wait3A_314 : memref<128x64xf32, #tpu.memory_space<hbm>>)
        } else {
        }
        %dma_start3A_295 = arith.constant 1 : i32
        %dma_start3A_296 = arith.constant 0 : i32
        %dma_start3A_297 = arith.constant 0 : i32
        %dma_start3A_298 = tpu.memref_slice %arg6[%dma_start3A_295, %dma_start3A_296, %dma_start3A_297] : memref<5x128x128xf32, #tpu.memory_space<vmem>> -> memref<1x128x128xf32, #tpu.memory_space<vmem>>
        %dma_start3A_299 = tpu.memref_squeeze %dma_start3A_298 : memref<1x128x128xf32, #tpu.memory_space<vmem>> -> memref<128x128xf32, #tpu.memory_space<vmem>>
        %dma_start3A_300 = arith.constant 0 : i32
        %dma_start3A_301 = tpu.memref_slice %arg5[%add3A_257, %dma_start3A_300] : memref<80x128xi32, #tpu.memory_space<vmem>> -> memref<1x128xi32, #tpu.memory_space<vmem>>
        %dma_start3A_302 = tpu.memref_squeeze %dma_start3A_301 : memref<1x128xi32, #tpu.memory_space<vmem>> -> memref<128xi32, #tpu.memory_space<vmem>>
        %dma_start3A_303 = arith.constant 0 : i32
        %dma_start3A_304 = arith.constant 0 : i32
        %dma_start3A_305 = tpu.memref_slice %arg3[%dma_start3A_303, %dma_start3A_304] : memref<1000000x128xf32, #tpu.memory_space<hbm>> -> memref<1000000x128xf32, #tpu.memory_space<hbm>>
        tpu.enqueue_indirect_dma source(%dma_start3A_305 : memref<1000000x128xf32, #tpu.memory_space<hbm>>) target(%dma_start3A_299 : memref<128x128xf32, #tpu.memory_space<vmem>>) offsets(%dma_start3A_302 : memref<128xi32, #tpu.memory_space<vmem>>) semaphore(%arg9 : memref<!tpu.dma_semaphore, #tpu.memory_space<semaphore_mem>>)
      } else {
      }
      %dma_wait3A_263 = arith.constant 4 : i32
      %dma_wait3A_264 = arith.constant 4 : i32
      %dma_wait3A_265 = arith.constant 0 : i32
      %dma_wait3A_266 = arith.constant 0 : i32
      %dma_wait3A_267 = tpu.memref_slice %arg6[%dma_wait3A_264, %dma_wait3A_265, %dma_wait3A_266] : memref<5x128x128xf32, #tpu.memory_space<vmem>> -> memref<1x128x128xf32, #tpu.memory_space<vmem>>
      %dma_wait3A_268 = tpu.memref_squeeze %dma_wait3A_267 : memref<1x128x128xf32, #tpu.memory_space<vmem>> -> memref<128x128xf32, #tpu.memory_space<vmem>>
      %dma_wait3A_269 = arith.constant 0 : i32
      %dma_wait3A_270 = tpu.memref_slice %arg5[%dma_wait3A_263, %dma_wait3A_269] : memref<80x128xi32, #tpu.memory_space<vmem>> -> memref<1x128xi32, #tpu.memory_space<vmem>>
      %dma_wait3A_271 = tpu.memref_squeeze %dma_wait3A_270 : memref<1x128xi32, #tpu.memory_space<vmem>> -> memref<128xi32, #tpu.memory_space<vmem>>
      %dma_wait3A_272 = arith.constant 0 : i32
      %dma_wait3A_273 = arith.constant 0 : i32
      %dma_wait3A_274 = tpu.memref_slice %arg3[%dma_wait3A_272, %dma_wait3A_273] : memref<1000000x128xf32, #tpu.memory_space<hbm>> -> memref<1000000x128xf32, #tpu.memory_space<hbm>>
      tpu.wait_indirect_dma semaphore(%arg12 : memref<!tpu.dma_semaphore, #tpu.memory_space<semaphore_mem>>) src(%dma_wait3A_274 : memref<1000000x128xf32, #tpu.memory_space<hbm>>) dst(%dma_wait3A_268 : memref<128x128xf32, #tpu.memory_space<vmem>>)
      %mul3A_275 = arith.constant 128 : i32
      %mul3A_276 = arith.muli %add3A_255, %mul3A_275 : i32
      %add3A_277 = arith.addi %mul3A_2, %mul3A_276 : i32
      %dma_start3A_278 = arith.constant 4 : i32
      %dma_start3A_279 = arith.constant 0 : i32
      %dma_start3A_280 = arith.constant 0 : i32
      %dma_start3A_281 = tpu.memref_slice %arg6[%dma_start3A_278, %dma_start3A_279, %dma_start3A_280] : memref<5x128x128xf32, #tpu.memory_space<vmem>> -> memref<1x128x64xf32, #tpu.memory_space<vmem>>
      %dma_start3A_282 = tpu.memref_squeeze %dma_start3A_281 : memref<1x128x64xf32, #tpu.memory_space<vmem>> -> memref<128x64xf32, #tpu.memory_space<vmem>>
      %dma_start3A_283 = arith.constant 0 : i32
      %dma_start3A_284 = tpu.memref_slice %arg4[%add3A_277, %dma_start3A_283] : memref<327680x64xf32, #tpu.memory_space<hbm>> -> memref<128x64xf32, #tpu.memory_space<hbm>>
      %dma_start3A_285 = arith.constant 0 : i32
      %dma_start3A_286 = tpu.memref_slice %arg4[%add3A_277, %dma_start3A_285] : memref<327680x64xf32, #tpu.memory_space<hbm>> -> memref<128x64xf32, #tpu.memory_space<hbm>>
      %dma_start3A_287 = arith.constant 0 : i32
      %dma_start3A_288 = arith.constant 0 : i32
      %dma_start3A_289 = tpu.memref_slice %arg6[%dma_start3A_278, %dma_start3A_287, %dma_start3A_288] : memref<5x128x128xf32, #tpu.memory_space<vmem>> -> memref<1x128x64xf32, #tpu.memory_space<vmem>>
      %dma_start3A_290 = tpu.memref_squeeze %dma_start3A_289 : memref<1x128x64xf32, #tpu.memory_space<vmem>> -> memref<128x64xf32, #tpu.memory_space<vmem>>
      tpu.enqueue_dma source(%dma_start3A_290 : memref<128x64xf32, #tpu.memory_space<vmem>>) target(%dma_start3A_286 : memref<128x64xf32, #tpu.memory_space<hbm>>) target_semaphore(%arg17 : memref<!tpu.dma_semaphore, #tpu.memory_space<semaphore_mem>>)
    }
    %scan3A_38 = arith.constant 16 : i32
    %dma_wait3A_39 = arith.constant 0 : i32
    %dma_wait3A_40 = arith.constant 0 : i32
    %dma_wait3A_41 = arith.constant 0 : i32
    %dma_wait3A_42 = tpu.memref_slice %arg6[%dma_wait3A_39, %dma_wait3A_40, %dma_wait3A_41] : memref<5x128x128xf32, #tpu.memory_space<vmem>> -> memref<1x128x64xf32, #tpu.memory_space<vmem>>
    %dma_wait3A_43 = tpu.memref_squeeze %dma_wait3A_42 : memref<1x128x64xf32, #tpu.memory_space<vmem>> -> memref<128x64xf32, #tpu.memory_space<vmem>>
    %dma_wait3A_44 = arith.constant 0 : i32
    %dma_wait3A_45 = tpu.memref_slice %arg4[%mul3A_2, %dma_wait3A_44] : memref<327680x64xf32, #tpu.memory_space<hbm>> -> memref<128x64xf32, #tpu.memory_space<hbm>>
    %dma_wait3A_46 = arith.constant 0 : i32
    %dma_wait3A_47 = tpu.memref_slice %arg4[%mul3A_2, %dma_wait3A_46] : memref<327680x64xf32, #tpu.memory_space<hbm>> -> memref<128x64xf32, #tpu.memory_space<hbm>>
    %dma_wait3A_48 = arith.constant 0 : i32
    %dma_wait3A_49 = arith.constant 0 : i32
    %dma_wait3A_50 = tpu.memref_slice %arg6[%dma_wait3A_39, %dma_wait3A_48, %dma_wait3A_49] : memref<5x128x128xf32, #tpu.memory_space<vmem>> -> memref<1x128x64xf32, #tpu.memory_space<vmem>>
    %dma_wait3A_51 = tpu.memref_squeeze %dma_wait3A_50 : memref<1x128x64xf32, #tpu.memory_space<vmem>> -> memref<128x64xf32, #tpu.memory_space<vmem>>
    tpu.wait_dma2 semaphore(%arg13 : memref<!tpu.dma_semaphore, #tpu.memory_space<semaphore_mem>>) src(%dma_wait3A_51 : memref<128x64xf32, #tpu.memory_space<vmem>>) dst(%dma_wait3A_47 : memref<128x64xf32, #tpu.memory_space<hbm>>)
    %dma_wait3A_52 = arith.constant 1 : i32
    %dma_wait3A_53 = arith.constant 0 : i32
    %dma_wait3A_54 = arith.constant 0 : i32
    %dma_wait3A_55 = tpu.memref_slice %arg6[%dma_wait3A_52, %dma_wait3A_53, %dma_wait3A_54] : memref<5x128x128xf32, #tpu.memory_space<vmem>> -> memref<1x128x64xf32, #tpu.memory_space<vmem>>
    %dma_wait3A_56 = tpu.memref_squeeze %dma_wait3A_55 : memref<1x128x64xf32, #tpu.memory_space<vmem>> -> memref<128x64xf32, #tpu.memory_space<vmem>>
    %dma_wait3A_57 = arith.constant 0 : i32
    %dma_wait3A_58 = tpu.memref_slice %arg4[%mul3A_2, %dma_wait3A_57] : memref<327680x64xf32, #tpu.memory_space<hbm>> -> memref<128x64xf32, #tpu.memory_space<hbm>>
    %dma_wait3A_59 = arith.constant 0 : i32
    %dma_wait3A_60 = tpu.memref_slice %arg4[%mul3A_2, %dma_wait3A_59] : memref<327680x64xf32, #tpu.memory_space<hbm>> -> memref<128x64xf32, #tpu.memory_space<hbm>>
    %dma_wait3A_61 = arith.constant 0 : i32
    %dma_wait3A_62 = arith.constant 0 : i32
    %dma_wait3A_63 = tpu.memref_slice %arg6[%dma_wait3A_52, %dma_wait3A_61, %dma_wait3A_62] : memref<5x128x128xf32, #tpu.memory_space<vmem>> -> memref<1x128x64xf32, #tpu.memory_space<vmem>>
    %dma_wait3A_64 = tpu.memref_squeeze %dma_wait3A_63 : memref<1x128x64xf32, #tpu.memory_space<vmem>> -> memref<128x64xf32, #tpu.memory_space<vmem>>
    tpu.wait_dma2 semaphore(%arg14 : memref<!tpu.dma_semaphore, #tpu.memory_space<semaphore_mem>>) src(%dma_wait3A_64 : memref<128x64xf32, #tpu.memory_space<vmem>>) dst(%dma_wait3A_60 : memref<128x64xf32, #tpu.memory_space<hbm>>)
    %dma_wait3A_65 = arith.constant 2 : i32
    %dma_wait3A_66 = arith.constant 0 : i32
    %dma_wait3A_67 = arith.constant 0 : i32
    %dma_wait3A_68 = tpu.memref_slice %arg6[%dma_wait3A_65, %dma_wait3A_66, %dma_wait3A_67] : memref<5x128x128xf32, #tpu.memory_space<vmem>> -> memref<1x128x64xf32, #tpu.memory_space<vmem>>
    %dma_wait3A_69 = tpu.memref_squeeze %dma_wait3A_68 : memref<1x128x64xf32, #tpu.memory_space<vmem>> -> memref<128x64xf32, #tpu.memory_space<vmem>>
    %dma_wait3A_70 = arith.constant 0 : i32
    %dma_wait3A_71 = tpu.memref_slice %arg4[%mul3A_2, %dma_wait3A_70] : memref<327680x64xf32, #tpu.memory_space<hbm>> -> memref<128x64xf32, #tpu.memory_space<hbm>>
    %dma_wait3A_72 = arith.constant 0 : i32
    %dma_wait3A_73 = tpu.memref_slice %arg4[%mul3A_2, %dma_wait3A_72] : memref<327680x64xf32, #tpu.memory_space<hbm>> -> memref<128x64xf32, #tpu.memory_space<hbm>>
    %dma_wait3A_74 = arith.constant 0 : i32
    %dma_wait3A_75 = arith.constant 0 : i32
    %dma_wait3A_76 = tpu.memref_slice %arg6[%dma_wait3A_65, %dma_wait3A_74, %dma_wait3A_75] : memref<5x128x128xf32, #tpu.memory_space<vmem>> -> memref<1x128x64xf32, #tpu.memory_space<vmem>>
    %dma_wait3A_77 = tpu.memref_squeeze %dma_wait3A_76 : memref<1x128x64xf32, #tpu.memory_space<vmem>> -> memref<128x64xf32, #tpu.memory_space<vmem>>
    tpu.wait_dma2 semaphore(%arg15 : memref<!tpu.dma_semaphore, #tpu.memory_space<semaphore_mem>>) src(%dma_wait3A_77 : memref<128x64xf32, #tpu.memory_space<vmem>>) dst(%dma_wait3A_73 : memref<128x64xf32, #tpu.memory_space<hbm>>)
    %dma_wait3A_78 = arith.constant 3 : i32
    %dma_wait3A_79 = arith.constant 0 : i32
    %dma_wait3A_80 = arith.constant 0 : i32
    %dma_wait3A_81 = tpu.memref_slice %arg6[%dma_wait3A_78, %dma_wait3A_79, %dma_wait3A_80] : memref<5x128x128xf32, #tpu.memory_space<vmem>> -> memref<1x128x64xf32, #tpu.memory_space<vmem>>
    %dma_wait3A_82 = tpu.memref_squeeze %dma_wait3A_81 : memref<1x128x64xf32, #tpu.memory_space<vmem>> -> memref<128x64xf32, #tpu.memory_space<vmem>>
    %dma_wait3A_83 = arith.constant 0 : i32
    %dma_wait3A_84 = tpu.memref_slice %arg4[%mul3A_2, %dma_wait3A_83] : memref<327680x64xf32, #tpu.memory_space<hbm>> -> memref<128x64xf32, #tpu.memory_space<hbm>>
    %dma_wait3A_85 = arith.constant 0 : i32
    %dma_wait3A_86 = tpu.memref_slice %arg4[%mul3A_2, %dma_wait3A_85] : memref<327680x64xf32, #tpu.memory_space<hbm>> -> memref<128x64xf32, #tpu.memory_space<hbm>>
    %dma_wait3A_87 = arith.constant 0 : i32
    %dma_wait3A_88 = arith.constant 0 : i32
    %dma_wait3A_89 = tpu.memref_slice %arg6[%dma_wait3A_78, %dma_wait3A_87, %dma_wait3A_88] : memref<5x128x128xf32, #tpu.memory_space<vmem>> -> memref<1x128x64xf32, #tpu.memory_space<vmem>>
    %dma_wait3A_90 = tpu.memref_squeeze %dma_wait3A_89 : memref<1x128x64xf32, #tpu.memory_space<vmem>> -> memref<128x64xf32, #tpu.memory_space<vmem>>
    tpu.wait_dma2 semaphore(%arg16 : memref<!tpu.dma_semaphore, #tpu.memory_space<semaphore_mem>>) src(%dma_wait3A_90 : memref<128x64xf32, #tpu.memory_space<vmem>>) dst(%dma_wait3A_86 : memref<128x64xf32, #tpu.memory_space<hbm>>)
    %dma_wait3A_91 = arith.constant 4 : i32
    %dma_wait3A_92 = arith.constant 0 : i32
    %dma_wait3A_93 = arith.constant 0 : i32
    %dma_wait3A_94 = tpu.memref_slice %arg6[%dma_wait3A_91, %dma_wait3A_92, %dma_wait3A_93] : memref<5x128x128xf32, #tpu.memory_space<vmem>> -> memref<1x128x64xf32, #tpu.memory_space<vmem>>
    %dma_wait3A_95 = tpu.memref_squeeze %dma_wait3A_94 : memref<1x128x64xf32, #tpu.memory_space<vmem>> -> memref<128x64xf32, #tpu.memory_space<vmem>>
    %dma_wait3A_96 = arith.constant 0 : i32
    %dma_wait3A_97 = tpu.memref_slice %arg4[%mul3A_2, %dma_wait3A_96] : memref<327680x64xf32, #tpu.memory_space<hbm>> -> memref<128x64xf32, #tpu.memory_space<hbm>>
    %dma_wait3A_98 = arith.constant 0 : i32
    %dma_wait3A_99 = tpu.memref_slice %arg4[%mul3A_2, %dma_wait3A_98] : memref<327680x64xf32, #tpu.memory_space<hbm>> -> memref<128x64xf32, #tpu.memory_space<hbm>>
    %dma_wait3A_100 = arith.constant 0 : i32
    %dma_wait3A_101 = arith.constant 0 : i32
    %dma_wait3A_102 = tpu.memref_slice %arg6[%dma_wait3A_91, %dma_wait3A_100, %dma_wait3A_101] : memref<5x128x128xf32, #tpu.memory_space<vmem>> -> memref<1x128x64xf32, #tpu.memory_space<vmem>>
    %dma_wait3A_103 = tpu.memref_squeeze %dma_wait3A_102 : memref<1x128x64xf32, #tpu.memory_space<vmem>> -> memref<128x64xf32, #tpu.memory_space<vmem>>
    tpu.wait_dma2 semaphore(%arg17 : memref<!tpu.dma_semaphore, #tpu.memory_space<semaphore_mem>>) src(%dma_wait3A_103 : memref<128x64xf32, #tpu.memory_space<vmem>>) dst(%dma_wait3A_99 : memref<128x64xf32, #tpu.memory_space<hbm>>)
    return
  }
}

module attributes {stable_mosaic.version = 14 : i64} {
  func.func @_format_body(%arg0: i32, %arg1: memref<64x16384xf32, #tpu.memory_space<vmem>>, %arg2: memref<16384x128xf32, #tpu.memory_space<vmem>>) attributes {dimension_semantics = [#tpu.dimension_semantics<arbitrary>], iteration_bounds = array<i64: 62>, scalar_prefetch = 0 : i64, scratch_operands = 0 : i64, tpu.core_type = #tpu.core_type<tc>, window_params = [{transform_indices = @transform_0, window_bounds = array<i64: 64, 16384>}, {transform_indices = @transform_1, window_bounds = array<i64: 16384, 128>}]} {
    %get3A = arith.constant 0 : index
    %get3A_0 = arith.constant 0 : index
    %get3A_1 = vector.load %arg1[%get3A, %get3A_0] : memref<64x16384xf32, #tpu.memory_space<vmem>>, vector<64x16384xf32>
    %transpose3A = tpu.transpose %get3A_1, [1, 0] : vector<64x16384xf32> -> vector<16384x64xf32>
    %swap3A = arith.constant 0 : index
    %swap3A_2 = arith.constant 0 : index
    %swap3A_3 = vector.load %arg2[%swap3A, %swap3A_2] : memref<16384x128xf32, #tpu.memory_space<vmem>>, vector<16384x64xf32>
    tpu.vector_store %arg2[%swap3A, %swap3A_2], %transpose3A {strides = array<i32>} : memref<16384x128xf32, #tpu.memory_space<vmem>>, vector<16384x64xf32>,
    return
  }
  func.func @transform_0(%arg0: i32) -> (i32, i32) {
    %c0_i32 = arith.constant 0 : i32
    %c0_i32_0 = arith.constant 0 : i32
    return %c0_i32, %arg0 : i32, i32
  }
  func.func @transform_1(%arg0: i32) -> (i32, i32) {
    %c0_i32 = arith.constant 0 : i32
    %c0_i32_0 = arith.constant 0 : i32
    return %arg0, %c0_i32 : i32, i32
  }
}

</mosaic_0001>

<sc_bundles>
// kernel: kernel.4.cloned.1.call-start
scs
__scs_entry_jumppad:
0x0: {  	(pc) =	sbr.rel $0x88, $3  }
0x1: {  	(tag) =	ssettag $0x0;
	lr =	simm.s32 $0x1  }
0x2: {  	[smem:$0x3F9F] =	sst lr;
	_ =	strace $0xD0000000  }
0x3: {  	_ = 	snop  }
0x4: {  	_ = 	snop  }
0x5: {  	_ = 	snop  }
0x6: {  	_ = 	snop  }
0x7: {  	_ = 	snop  }
__scs_overlays_trampoline_lowered:
0x8: {  	[smem:$0x3FAE] =	sst s0  }
0x9: {  	[smem:$0x3FAF] =	sst s1  }
0xa: {  	[smem:$0x3FB0] =	sst s2  }
0xb: {  	[smem:$0x3FB1] =	sst s3  }
0xc: {  	[smem:$0x3FB2] =	sst s4  }
0xd: {  	[smem:$0x3FB3] =	sst s5  }
0xe: {  	[smem:$0x3FB4] =	sst s6  }
0xf: {  	[smem:$0x3FB5] =	sst s7  }
0x10: {  	[smem:$0x3FB6] =	sst s8  }
0x11: {  	[smem:$0x3FB7] =	sst s9;
	s0 =	simm.s32 @!p0 $0x0  }
0x12: {  	s1 =	sld [smem:$0x3F9D];
	s0 =	simm.s32 @p0 $0x1  }
0x13: {  	[smem:$0x3FB8] =	sst s0;
	s0 =	simm.s32 @!p1 $0x0  }
0x14: {  	s2 =	sld [smem:$0x3F9C];
	s0 =	simm.s32 @p1 $0x1  }
0x15: {  	[smem:$0x3FB9] =	sst s0;
	s0 =	simm.s32 @!p2 $0x0  }
0x16: {  	s3 =	sld [smem:$0x3FDB];
	s0 =	simm.s32 @p2 $0x1  }
0x17: {  	s4 =	simm.s32 $0x1BF5;
	[smem:$0x3FBB] =	sst s0  }
0x18: {  	s0 =	sld [smem:$0x3F9E];
	_ =	swait.ge [sflag:s4], $0x0  }
0x19: {  	s7 =	sld [smem:$0x3F9F]  }
0x1a: {  	s8 =	sadd.s32 $0xFFFFE003, lr  }
0x1b: {  	s9 =	sadd.s32 $0xFFFFFEF7, lr;
	s5 =	simm.s32 $0xFFFFFFFF;
	p2 =	slt.u32 s8, $0xFFFFF086  }
0x1c: {  	p1 =	slt.u32 s9, $0xF7A;
	s5 =	simm.s32 @!p2 $0x0  }
0x1d: {  	s5 =	simm.s32 @p1 $0x1;
	p0 =	seq.s32 s7, s2  }
0x1e: {  	s7 =	smul.u32 @!p0 $0xF7A, s2;
	p2 =	seq.s32 @!p0 s5, $0x0  }
0x1f: {  	s9 =	smul.u32 $0xF7A, s1;
	s8 =	simm.s32 @!p0 $0x1BF5;
	p2 =	por !p2, p0  }
0x20: {  	[sflag:s8] =	ssyncset.s32 @!p0 $0xFFFFF086;
	s6 =	sadd.s32 @!p0 s3, s7;
	s7 =	simm.s32 @!p0 $0x108  }
0x21: {  	s3 =	sadd.s32 s3, s9;
	s6 =	sadd.s32 @!p0 $0x88, s6;
	s7 =	simm.s32 @p2 $0x1082  }
0x22: {  	[simem:s7], [sflag:s8] =	dma.local @!p0 [hbm:s6], $0xF7A  }
0x23: {  	s9 =	sor.u32 $0xD0000000, s2;
	s6 =	simm.s32 $0x108;
	_ =	swait.ge @!p0 [sflag:s8], $0x0  }
0x24: {  	s3 =	sadd.s32 $0x88, s3;
	s6 =	simm.s32 @!p1 $0x1082;
	[sflag:s4] =	ssyncset.s32 $0xFFFFF086  }
0x25: {  	[simem:s6], [sflag:s4] =	dma.local [hbm:s3], $0xF7A  }
0x26: {  	[smem:$0x3F9F] =	sst s1;
	(tag) =	ssettag s2;
	_ =	strace s9  }
0x27: {  	s1 =	sld [smem:$0x3FAF]  }
0x28: {  	s2 =	sld [smem:$0x3FB0]  }
0x29: {  	s4 =	sld [smem:$0x3FB2]  }
0x2a: {  	p0 =	seq.s32 s5, $0x0;
	s5 =	sld [smem:$0x3FB3]  }
0x2b: {  	s6 =	sld [smem:$0x3FB4]  }
0x2c: {  	s7 =	sld [smem:$0x3FB5]  }
0x2d: {  	s3 =	simm.s32 $0x108;
	s8 =	sld [smem:$0x3FB6]  }
0x2e: {  	s3 =	simm.s32 @!p0 $0x1082;
	s9 =	sld [smem:$0x3FB7]  }
0x2f: {  	lr =	sadd.s32 s0, s3;
	s0 =	sld [smem:$0x3FAE]  }
0x30: {  	s3 =	sld [smem:$0x3FB1]  }
0x31: {  	[smem:$0x3FBA] =	sst s10  }
0x32: {  	s10 =	sld [smem:$0x3FB8];
	_ =	sdelay $0x3  }
0x33: {  	p0 =	seq.s32 s10, $0x1;
	s10 =	sld [smem:$0x3FBA];
	_ =	sdelay $0x3  }
0x34: {  	[smem:$0x3FBA] =	sst s10  }
0x35: {  	s10 =	sld [smem:$0x3FB9];
	_ =	sdelay $0x3  }
0x36: {  	p1 =	seq.s32 s10, $0x1;
	s10 =	sld [smem:$0x3FBA];
	_ =	sdelay $0x3  }
0x37: {  	[smem:$0x3FBA] =	sst s10  }
0x38: {  	s10 =	sld [smem:$0x3FBB]  }
0x39: {  	_ = 	snop;
	(pc) =	sbr.ind lr, $3  }
0x3a: {  	_ = 	snop  }
0x3b: {  	_ = 	snop  }
0x3c: {  	p2 =	seq.s32 s10, $0x1;
	s10 =	sld [smem:$0x3FBA]  }
0x3d: {  	_ =	shalt  }
0x3e: {  	_ =	shalt  }
0x3f: {  	_ =	shalt  }
0x40: {  	_ =	shalt  }
0x41: {  	_ =	shalt  }
0x42: {  	_ =	shalt  }
0x43: {  	_ =	shalt  }
0x44: {  	_ =	shalt  }
0x45: {  	_ =	shalt  }
0x46: {  	_ =	shalt  }
0x47: {  	_ =	shalt  }
0x48: {  	_ =	shalt  }
0x49: {  	_ =	shalt  }
0x4a: {  	_ =	shalt  }
0x4b: {  	_ =	shalt  }
0x4c: {  	_ =	shalt  }
0x4d: {  	_ =	shalt  }
0x4e: {  	_ =	shalt  }
0x4f: {  	_ =	shalt  }
0x50: {  	_ =	shalt  }
0x51: {  	_ =	shalt  }
0x52: {  	_ =	shalt  }
0x53: {  	_ =	shalt  }
0x54: {  	_ =	shalt  }
0x55: {  	_ =	shalt  }
0x56: {  	_ =	shalt  }
0x57: {  	_ =	shalt  }
0x58: {  	_ =	shalt  }
0x59: {  	_ =	shalt  }
0x5a: {  	_ =	shalt  }
0x5b: {  	_ =	shalt  }
0x5c: {  	_ =	shalt  }
0x5d: {  	_ =	shalt  }
0x5e: {  	_ =	shalt  }
0x5f: {  	_ =	shalt  }
0x60: {  	_ =	shalt  }
0x61: {  	_ =	shalt  }
0x62: {  	_ =	shalt  }
0x63: {  	_ =	shalt  }
0x64: {  	_ =	shalt  }
0x65: {  	_ =	shalt  }
0x66: {  	_ =	shalt  }
0x67: {  	_ =	shalt  }
0x68: {  	_ =	shalt  }
0x69: {  	_ =	shalt  }
0x6a: {  	_ =	shalt  }
0x6b: {  	_ =	shalt  }
0x6c: {  	_ =	shalt  }
0x6d: {  	_ =	shalt  }
0x6e: {  	_ =	shalt  }
0x6f: {  	_ =	shalt  }
0x70: {  	_ =	shalt  }
0x71: {  	_ =	shalt  }
0x72: {  	_ =	shalt  }
0x73: {  	_ =	shalt  }
0x74: {  	_ =	shalt  }
0x75: {  	_ =	shalt  }
0x76: {  	_ =	shalt  }
0x77: {  	_ =	shalt  }
0x78: {  	_ =	shalt  }
0x79: {  	_ =	shalt  }
0x7a: {  	_ =	shalt  }
0x7b: {  	_ =	shalt  }
0x7c: {  	_ =	shalt  }
0x7d: {  	_ =	shalt  }
0x7e: {  	_ =	shalt  }
0x7f: {  	_ =	shalt  }
0x80: {  	_ =	shalt  }
0x81: {  	_ =	shalt  }
0x82: {  	_ =	shalt  }
0x83: {  	_ =	shalt  }
0x84: {  	_ =	shalt  }
0x85: {  	_ =	shalt  }
0x86: {  	_ =	shalt  }
0x87: {  	_ =	shalt  }
.Lfunc_end0:
.L_simem_size_0:
called_computation.1_lowered:
.L_overlay_start_0:
0x88: {  	s2 =	sld [smem:$0x3FD9]  }
0x89: {  	s3 =	sld [smem:$0x3FFE];
	_ =	sdelay $0x1  }
0x8a: {  	s1 =	srdreg.scid  }
0x8b: {  	s0 =	sand.u32 $0x1, s1  }
0x8c: {  	s17 =	sshll.u32 s0, $0xA;
	s2 =	sadd.s32 s3, s2  }
0x8d: {  	s2 =	sadd.s32 s2, s17  }
0x8e: {  	[smem:$0x3FC6] =	sst s2  }
0x8f: {  	_ = 	snop  }
0x90: {  	s2 =	sld [smem:$0x3FD0];
	(tm) =	ssettm $0x1  }
0x91: {  	s18 =	sld [smem:$0x3FFB];
	_ =	sdelay $0x3  }
0x92: {  	_ =	strace s18  }
0x93: {  	s3 =	sld [smem:$0x3FFC];
	_ =	sdelay $0x3  }
0x94: {  	_ =	strace s3  }
0x95: {  	s3 =	sld [smem:$0x3FFD];
	_ =	sdelay $0x3  }
0x96: {  	_ =	strace s3  }
0x97: {  	_ =	strace $0x8FFFFFFF  }
0x98: {  	s19 =	sld [smem:$0x3FDB];
	_ =	sdelay $0x1  }
0x99: {  	s4 =	simm.s32 $_scs_section_size  }
0x9a: {  	s5 =	simm.s32 $_size__tile_overlayer_lowered;
	s6 =	simm.s32 $_tile_overlayer_lowered  }
0x9b: {  	s22 =	simm.s32 $0x1BFF;
	s21 =	sshll.u32 s6, $0x1;
	s3 =	sadd.s32 s4, s19  }
0x9c: {  	s7 =	simm.s32 $0x0;
	s20 =	sshll.u32 s5, $0x1;
	s5 =	sadd.s32 s21, s3  }
0x9d: {  	[timem:s7], [sflag:s22] =	dma.local [hbm:s5], s20  }
0x9e: {  	_ =	swait.ge [sflag:s22], s20  }
0x9f: {  	s4 =	ssub.s32 $0x0, s20;
	[sflag:s22] =	ssyncset.done $0x0  }
0xa0: {  	[sflag:s22] =	ssyncadd.s32 s4;
	_ =	sdelay $0x1  }
0xa1: {  	s23 =	simm.s32 $0x1B8B  }
0xa2: {  	_ =	swait.ge [sflag:s23], $0x1  }
0xa3: {  	[sflag:s23] =	ssyncset.done $0x0  }
0xa4: {  	s25 =	simm.s32 $0x1B8E;
	s24 =	sld [smem:$0x3FFE];
	[sflag:s23] =	ssyncadd.s32 $0xFFFFFFFF  }
0xa5: {  	s26 =	simm.s32 $execute0_lowered;
	[smem:$0x3FD2] =	sst s25  }
0xa6: {  	s5 =	sshll.u32 s26, $0x1;
	_ =	strace $0x80000046;
	[dreg:$0x1] =	wrdreg $0xFFFFFFFF  }
0xa7: {  	s28 =	simm.s32 $_size_execute0_lowered;
	s3 =	sadd.s32 s3, s5;
	[dreg:$0x0] =	wrdreg $0x0  }
0xa8: {  	s5 =	sshll.u32 s28, $0x1;
	[dreg:$0x2] =	wrdreg s3  }
0xa9: {  	[dreg:$0x3] =	wrdreg s5  }
0xaa: {  	[dreg:$0x4] =	wrdreg $0xC0  }
0xab: {  	_ =	task [dreg:s7], $0x5FFFF  }
0xac: {  	[dreg:$0x1] =	wrdreg $0xFFFFFFFF  }
0xad: {  	[dreg:$0x0] =	wrdreg $0x60  }
0xae: {  	[dreg:$0x2] =	wrdreg s24  }
0xaf: {  	[dreg:$0x3] =	wrdreg s2  }
0xb0: {  	[dreg:$0x4] =	wrdreg $0x9  }
0xb1: {  	_ =	task.clear_ibuf [dreg:s7], $0x5FFFF;
	_ =	strace $0x90000046  }
0xb2: {  	s29 =	simm.s32 $0x9;
	_ =	strace $0x80000048  }
0xb3: {  	_ =	swait.ge [sflag:s29], $0x1  }
0xb4: {  	[sflag:s29] =	ssyncadd.s32 $0xFFFFFFFF  }
0xb5: {  	_ =	strace $0x90000048  }
0xb6: {  	_ =	sfence  }
0xb7: {  	s30 =	sld [smem:$0x0];
	_ =	sdelay $0x2  }
0xb8: {  	s31 =	sshll.u32 s1, $0xD;
	s1 =	sshrl.u32 s1, $0x2  }
0xb9: {  	s3 =	sand.u32 $0x4000, s31;
	s1 =	sadd.s32 s1, s30  }
0xba: {  	s0 =	sor.u32 s3, s0;
	s1 =	sshll.u32 s1, $0x11  }
0xbb: {  	s0 =	sor.u32 s1, s0  }
0xbc: {  	s0 =	sadd.s32 $0x8F2B, s0  }
0xbd: {  	[sflag:s0] =	ssyncadd.remote.s32 $0x1  }
0xbe: {  	_ =	sfence.sel $0xFFFF  }
0xbf: {  	[dreg:$0x0] =	wrdreg $0xFFFFFFFF;
	(pc) =	sbr.abs _section_cstart, $3  }
0xc0: {  	[dreg:$0x1] =	wrdreg $0xFFFFFFFF  }
0xc1: {  	_ =	task.clear_ibuf [dreg:s7], $0x2FFFF;
	_ =	strace $0x9FFFFFFF  }
0xc2: {  	(tm) =	ssettm $0x7FFFFFFF  }
0xc3: {  	_ =	shalt  }
tec
execute0_lowered:
.L_overlay_start_1:
0x0: {  	(tag) =	ssettag $0x1  }
0x1: {  	s0 =	rddreg [dreg:$0x0]  }
0x2: {  	s1 =	srdreg.scid;
	s3 =	stileid.u32  }
0x3: {  	s2 =	rddreg [dreg:$0x1];
	s10 =	simm.s32 $0x1;
	s11 =	simm.s32 $0x80  }
0x4: {  	s14 =	simm.s32 $0xA800;
	s15 =	simm.s32 $0x2;
	s16 =	simm.s32 $0xE800  }
0x5: {  	s17 =	simm.s32 $0x3;
	s18 =	simm.s32 $0x12800;
	s19 =	simm.s32 $0x4  }
0x6: {  	s20 =	simm.s32 $0x5;
	s21 =	simm.s32 $0x6;
	s22 =	simm.s32 $0x7  }
0x7: {  	s23 =	simm.s32 $0x8;
	s24 =	simm.s32 $0x9;
	s25 =	simm.s32 $0xA  }
0x8: {  	s26 =	simm.s32 $0xB;
	s1 =	sand.u32 $0x1, s1;
	s4 =	sshll.u32 s3, $0x1  }
0x9: {  	s28 =	simm.s32 $0x0;
	s6 =	sor.u32 s1, s4;
	s1 =	ssub.s32 $0x2, s1  }
0xa: {  	s3 =	simm.s32 $0x0;
	s4 =	smul.u32 $0x500, s6;
	s8 =	sshrl.u32 s1, $0x1  }
0xb: {  	s5 =	sadd.s32 $0xA800, s0;
	[smem:$0x7FF] =	sst s3;
	s30 =	ssub.s32 s1, s8  }
0xc: {  	s7 =	sadd.s32 s4, s0;
	s4 =	smul.u32 $0x2800, s6;
	s0 =	smax.u32 s30, $0x1  }
0xd: {  	_ =	strace $0x80000047;
	s31 =	sadd.s32 $0x800, s7;
	[dreg:$0x4] =	wrdreg s0  }
0xe: {  	s8 =	smul.u32 $0xA0000, s6;
	[dreg:$0x3] =	wrdreg s31;
	s7 =	sor.u32 $0x80, s4  }
.LBB2_1:
0xf: {  	s0 =	rddreg [dreg:$0x3]  }
0x10: {  	[tilespmem:s3], [sflag:$0x1] =	stream.linear.gather [hbm4b:s0+s3], $0x2800, $0x38;
	[tilespmem:$0x16800] =	vst v63  }
0x11: {  	_ =	swait.ge [sflag:s10], $0x2800  }
0x12: {  	[sflag:s10] =	ssyncset.done $0x0  }
0x13: {  	s30 =	simm.s32 $0x2800;
	[sflag:s10] =	ssyncadd.s32 $0xFFFFD800  }
0x14: {  	[tilespmem:s30], [sflag:$0x2] =	stream.indirect.gather [hbm4b:s5+s11], $0x80, s3, s11, $0xb8;
	[tilespmem:$0x16800] =	vst v63  }
0x15: {  	s31 =	simm.s32 $0x6800;
	s29 =	simm.s32 $0x0  }
0x16: {  	[tilespmem:s31], [sflag:$0x3] =	stream.indirect.gather [hbm4b:s5+s11], $0x80, s11, s11, $0xb8;
	[tilespmem:$0x16800] =	vst v63  }
.LBB2_2:
0x17: {  	s31 =	smul.u32 $0x5, s29;
	p0 =	seq.s32 s29, $0x0  }
0x18: {  	s0 =	simm.s32 @!p0 $0x9  }
0x19: {  	s1 =	sadd.s32 $0x2, s31;
	_ =	swait.ge @!p0 [sflag:s0], $0x2000  }
0x1a: {  	[sflag:s0] =	ssyncset.done @!p0 $0x0;
	s6 =	sshll.u32 s1, $0x7  }
0x1b: {  	[sflag:s0] =	ssyncadd.s32 @!p0 $0xFFFFE000;
	s6 =	sand.u32 $0x3FFFFF80, s6;
	s0 =	smul.u32 $0x280, s29  }
0x1c: {  	[tilespmem:s14], [sflag:$0x4] =	stream.indirect.gather [hbm4b:s5+s11], $0x80, s6, s11, $0xb8;
	[tilespmem:$0x16800] =	vst v63  }
0x1d: {  	s13 =	sadd.s32 s4, s0  }
0x1e: {  	s12 =	simm.s32 $0x2800;
	_ =	swait.ge [sflag:s15], $0x4000;
	s6 =	sshll.u32 s13, $0x3  }
0x1f: {  	[sflag:s15] =	ssyncset.done $0x0;
	s13 =	simm.s32 $0x8;
	s30 =	sadd.s32 s2, s6  }
0x20: {  	[sflag:s15] =	ssyncadd.s32 $0xFFFFC000;
	s6 =	simm.s32 $0x2880;
	s9 =	sadd.s32 $0x0, s30  }
.LBB2_3:
0x21: {  	[hbm4b:s9+s3] =	stream.linear.scatter [tilespmem:s12], [sflag:$0x7], $0x40, $0x38;
	[tilespmem:$0x16800] =	vst v63  }
0x22: {  	s9 =	smov.u32 s13;
	s12 =	smov.u32 s6;
	p1 =	sne.s32 s13, $0x3F8  }
.Ltmp0:
0x23: {  	s13 =	sadd.s32 $0x8, s13;
	(pc) =	sbr.rel @p1 .LBB2_3-.Ltmp0, $2  }
0x24: {  	_ =	sdelay $0x2  }
0x25: {  	s6 =	sadd.s32 $0x80, s6;
	s9 =	sadd.s32 s9, s30  }
0x26: {  	[hbm4b:s9+s3] =	stream.linear.scatter [tilespmem:s12], [sflag:$0x7], $0x40, $0x38;
	[tilespmem:$0x16800] =	vst v63  }
0x27: {  	s6 =	simm.s32 @!p0 $0xA  }
0x28: {  	s30 =	sadd.s32 $0x3, s31;
	_ =	swait.ge @!p0 [sflag:s6], $0x2000  }
0x29: {  	s0 =	sadd.s32 s0, s7;
	s12 =	sshll.u32 s30, $0x7;
	[sflag:s6] =	ssyncset.done @!p0 $0x0  }
0x2a: {  	s0 =	sshll.u32 s0, $0x3;
	s13 =	sand.u32 $0x3FFFFF80, s12;
	[sflag:s6] =	ssyncadd.s32 @!p0 $0xFFFFE000  }
0x2b: {  	[tilespmem:s16], [sflag:$0x5] =	stream.indirect.gather [hbm4b:s5+s11], $0x80, s13, s11, $0xb8;
	[tilespmem:$0x16800] =	vst v63  }
0x2c: {  	s0 =	sand.u32 $0x1FFFFC00, s0;
	s12 =	simm.s32 $0x6800;
	_ =	swait.ge [sflag:s17], $0x4000  }
0x2d: {  	s0 =	sadd.s32 s2, s0;
	s6 =	simm.s32 $0x6880;
	[sflag:s17] =	ssyncset.done $0x0  }
0x2e: {  	s13 =	simm.s32 $0x8;
	s9 =	sadd.s32 $0x0, s0;
	[sflag:s17] =	ssyncadd.s32 $0xFFFFC000  }
.LBB2_5:
0x2f: {  	[hbm4b:s9+s3] =	stream.linear.scatter [tilespmem:s12], [sflag:$0x8], $0x40, $0x38;
	[tilespmem:$0x16800] =	vst v63  }
0x30: {  	s9 =	smov.u32 s13;
	s12 =	smov.u32 s6;
	p1 =	sne.s32 s13, $0x3F8  }
.Ltmp1:
0x31: {  	s13 =	sadd.s32 $0x8, s13;
	(pc) =	sbr.rel @p1 .LBB2_5-.Ltmp1, $2  }
0x32: {  	_ =	sdelay $0x2  }
0x33: {  	s6 =	sadd.s32 $0x80, s6;
	s9 =	sadd.s32 s9, s0  }
0x34: {  	[hbm4b:s9+s3] =	stream.linear.scatter [tilespmem:s12], [sflag:$0x8], $0x40, $0x38;
	[tilespmem:$0x16800] =	vst v63  }
0x35: {  	s0 =	simm.s32 @!p0 $0xB  }
0x36: {  	s31 =	sadd.s32 $0x4, s31;
	_ =	swait.ge @!p0 [sflag:s0], $0x2000  }
0x37: {  	s13 =	sshll.u32 s1, $0xD;
	s6 =	sshll.u32 s31, $0x7;
	[sflag:s0] =	ssyncset.done @!p0 $0x0  }
0x38: {  	s12 =	sand.u32 $0x3FFFFF80, s6;
	[sflag:s0] =	ssyncadd.s32 @!p0 $0xFFFFE000;
	s0 =	sadd.s32 s8, s13  }
0x39: {  	[tilespmem:s18], [sflag:$0x6] =	stream.indirect.gather [hbm4b:s5+s11], $0x80, s12, s11, $0xb8;
	[tilespmem:$0x16800] =	vst v63  }
0x3a: {  	s1 =	simm.s32 $0xA800;
	s0 =	sshrl.u32 s0, $0x3;
	_ =	swait.ge [sflag:s19], $0x4000  }
0x3b: {  	s6 =	simm.s32 $0xA880;
	s0 =	sadd.s32 s2, s0;
	[sflag:s19] =	ssyncset.done $0x0  }
0x3c: {  	s12 =	simm.s32 $0x8;
	s9 =	sadd.s32 $0x0, s0;
	[sflag:s19] =	ssyncadd.s32 $0xFFFFC000  }
.LBB2_7:
0x3d: {  	[hbm4b:s9+s3] =	stream.linear.scatter [tilespmem:s1], [sflag:$0x9], $0x40, $0x38;
	[tilespmem:$0x16800] =	vst v63  }
0x3e: {  	s9 =	smov.u32 s12;
	s1 =	smov.u32 s6;
	p0 =	sne.s32 s12, $0x3F8  }
.Ltmp2:
0x3f: {  	s12 =	sadd.s32 $0x8, s12;
	(pc) =	sbr.rel @p0 .LBB2_7-.Ltmp2, $2  }
0x40: {  	_ =	sdelay $0x2  }
0x41: {  	s6 =	sadd.s32 $0x80, s6;
	s9 =	sadd.s32 s9, s0  }
0x42: {  	[hbm4b:s9+s3] =	stream.linear.scatter [tilespmem:s1], [sflag:$0x9], $0x40, $0x38;
	[tilespmem:$0x16800] =	vst v63  }
0x43: {  	p0 =	seq.s32 s29, $0xF  }
0x44: {  	s0 =	simm.s32 @!p0 $0x7  }
0x45: {  	s1 =	smul.u32 @!p0 $0xA00, s29;
	_ =	swait.ge @!p0 [sflag:s0], $0x2000  }
0x46: {  	[sflag:s0] =	ssyncset.done @!p0 $0x0  }
0x47: {  	s30 =	sshll.u32 s30, $0xD;
	[sflag:s0] =	ssyncadd.s32 @!p0 $0xFFFFE000;
	s0 =	sshra.s32 @!p0 s1, $0x2  }
0x48: {  	s6 =	simm.s32 @!p0 $0x80;
	s9 =	simm.s32 @!p0 $0x2800;
	s1 =	sadd.s32 @!p0 $0x280, s0  }
0x49: {  	[tilespmem:s9], [sflag:$0x2] =	stream.indirect.gather @!p0 [hbm4b:s5+s6], $0x80, s1, s6, $0xb8;
	[tilespmem:$0x16800] =	vst v63  }
0x4a: {  	s1 =	sadd.s32 s8, s30  }
0x4b: {  	s12 =	simm.s32 $0xE800;
	_ =	swait.ge [sflag:s20], $0x4000;
	s1 =	sshrl.u32 s1, $0x3  }
0x4c: {  	s13 =	simm.s32 $0x8;
	[sflag:s20] =	ssyncset.done $0x0;
	s1 =	sadd.s32 s2, s1  }
0x4d: {  	s6 =	simm.s32 $0xE880;
	[sflag:s20] =	ssyncadd.s32 $0xFFFFC000;
	s9 =	sadd.s32 $0x0, s1  }
.LBB2_9:
0x4e: {  	[hbm4b:s9+s3] =	stream.linear.scatter [tilespmem:s12], [sflag:$0xA], $0x40, $0x38;
	[tilespmem:$0x16800] =	vst v63  }
0x4f: {  	s9 =	smov.u32 s13;
	s12 =	smov.u32 s6;
	p1 =	sne.s32 s13, $0x3F8  }
.Ltmp3:
0x50: {  	s13 =	sadd.s32 $0x8, s13;
	(pc) =	sbr.rel @p1 .LBB2_9-.Ltmp3, $2  }
0x51: {  	_ =	sdelay $0x2  }
0x52: {  	s6 =	sadd.s32 $0x80, s6;
	s9 =	sadd.s32 s9, s1  }
0x53: {  	[hbm4b:s9+s3] =	stream.linear.scatter [tilespmem:s12], [sflag:$0xA], $0x40, $0x38;
	[tilespmem:$0x16800] =	vst v63  }
0x54: {  	s1 =	simm.s32 @!p0 $0x8  }
0x55: {  	_ =	swait.ge @!p0 [sflag:s1], $0x2000  }
0x56: {  	s0 =	sadd.s32 @!p0 $0x300, s0;
	s6 =	simm.s32 @!p0 $0x6800;
	[sflag:s1] =	ssyncset.done @!p0 $0x0  }
0x57: {  	s31 =	sshll.u32 s31, $0xD;
	[sflag:s1] =	ssyncadd.s32 @!p0 $0xFFFFE000;
	s1 =	simm.s32 @!p0 $0x80  }
0x58: {  	[tilespmem:s6], [sflag:$0x3] =	stream.indirect.gather @!p0 [hbm4b:s5+s1], $0x80, s0, s1, $0xb8;
	[tilespmem:$0x16800] =	vst v63  }
0x59: {  	s0 =	sadd.s32 s8, s31  }
0x5a: {  	s12 =	simm.s32 $0x8;
	_ =	swait.ge [sflag:s21], $0x4000;
	s0 =	sshrl.u32 s0, $0x3  }
0x5b: {  	s1 =	simm.s32 $0x12800;
	[sflag:s21] =	ssyncset.done $0x0;
	s0 =	sadd.s32 s2, s0  }
0x5c: {  	s6 =	simm.s32 $0x12880;
	[sflag:s21] =	ssyncadd.s32 $0xFFFFC000;
	s9 =	sadd.s32 $0x0, s0  }
.LBB2_11:
0x5d: {  	[hbm4b:s9+s3] =	stream.linear.scatter [tilespmem:s1], [sflag:$0xB], $0x40, $0x38;
	[tilespmem:$0x16800] =	vst v63  }
0x5e: {  	s9 =	smov.u32 s12;
	s1 =	smov.u32 s6;
	p0 =	sne.s32 s12, $0x3F8  }
.Ltmp4:
0x5f: {  	s12 =	sadd.s32 $0x8, s12;
	(pc) =	sbr.rel @p0 .LBB2_11-.Ltmp4, $2  }
0x60: {  	_ =	sdelay $0x2  }
0x61: {  	s6 =	sadd.s32 $0x80, s6;
	s9 =	sadd.s32 s9, s0  }
0x62: {  	s29 =	sadd.s32 $0x1, s29  }
0x63: {  	p0 =	sne.s32 s29, $0x10  }
.Ltmp5:
0x64: {  	_ = 	snop;
	(pc) =	sbr.rel @p0 .LBB2_2-.Ltmp5, $2  }
0x65: {  	_ =	sdelay $0x2  }
0x66: {  	[hbm4b:s9+s3] =	stream.linear.scatter [tilespmem:s1], [sflag:$0xB], $0x40, $0x38;
	[tilespmem:$0x16800] =	vst v63  }
0x67: {  	_ =	swait.ge [sflag:s22], $0x2000  }
0x68: {  	[sflag:s22] =	ssyncset.done $0x0  }
0x69: {  	[sflag:s22] =	ssyncadd.s32 $0xFFFFE000  }
0x6a: {  	_ =	swait.ge [sflag:s23], $0x2000  }
0x6b: {  	[sflag:s23] =	ssyncset.done $0x0  }
0x6c: {  	[sflag:s23] =	ssyncadd.s32 $0xFFFFE000  }
0x6d: {  	_ =	swait.ge [sflag:s24], $0x2000  }
0x6e: {  	[sflag:s24] =	ssyncset.done $0x0  }
0x6f: {  	[sflag:s24] =	ssyncadd.s32 $0xFFFFE000  }
0x70: {  	_ =	swait.ge [sflag:s25], $0x2000  }
0x71: {  	[sflag:s25] =	ssyncset.done $0x0  }
0x72: {  	[sflag:s25] =	ssyncadd.s32 $0xFFFFE000  }
0x73: {  	_ =	swait.ge [sflag:s26], $0x2000  }
0x74: {  	s28 =	sadd.s32 $0x1, s28;
	s0 =	rddreg [dreg:$0x4]  }
0x75: {  	p0 =	sne.s32 s28, s0  }
.Ltmp6:
0x76: {  	_ = 	snop;
	(pc) =	sbr.rel @p0 .LBB2_1-.Ltmp6, $3  }
0x77: {  	_ =	sdelay $0x1  }
0x78: {  	[sflag:s26] =	ssyncset.done $0x0  }
0x79: {  	[sflag:s26] =	ssyncadd.s32 $0xFFFFE000  }
0x7a: {  	_ =	sfence.sel $0x180000  }
0x7b: {  	[bflag:$0x0] =	sbarrier.arrive $0xFFFF  }
0x7c: {  	_ =	strace $0x90000047  }
0x7d: {  	s0 =	stileid.u32;
	[bflag:$0x2] =	sbarrier.arrive $0xFFFF  }
0x7e: {  	p0 =	sne.s32 s0, $0x0;
	s0 =	rddreg [dreg:$0x2]  }
0x7f: {  	s0 =	sadd.s32 @!p0 $0x100000, s0  }
0x80: {  	[sflag:s0] =	ssyncadd.tile.s32 @!p0 $0x1;
	_ =	shalt  }
.Lfunc_end2:
_tile_overlayer_lowered:
.L_overlay_start_2:
0x81: {  	(tag) =	ssettag $0x2  }
0x82: {  	s0 =	rddreg [dreg:$0x0];
	s2 =	stileid.u32  }
0x83: {  	s1 =	rddreg [dreg:$0x1];
	p0 =	sne.s32 s2, $0x0  }
0x84: {  	s3 =	rddreg [dreg:$0x2];
	[bflag:$0x3] =	sbarrier.arrive $0xFFFF;
	s2 =	simm.s32 @!p0 $0x1C0C  }
0x85: {  	[timem:s3], [sflag:s2] =	dma.local @!p0 [hbm:s0], s1  }
0x86: {  	s0 =	simm.s32 @!p0 $0xC  }
0x87: {  	_ =	swait.ge @!p0 [sflag:s0], s1  }
0x88: {  	s1 =	ssub.s32 @!p0 $0x0, s1;
	[sflag:s0] =	ssyncset.done @!p0 $0x0  }
0x89: {  	[sflag:s0] =	ssyncadd.s32 @!p0 s1  }
0x8a: {  	[bflag:$0x3] =	sbarrier.arrive $0xFFFF  }
0x8b: {  	_ =	shalt  }

// kernel: sparse-core-data-format-call.cloned.1.call-start
scs
called_computation_lowered:
.L_overlay_start_0:
0x0: {  	s2 =	sld [smem:$0x3FD9]  }
0x1: {  	s3 =	sld [smem:$0x3FFE];
	_ =	sdelay $0x1  }
0x2: {  	s1 =	srdreg.scid  }
0x3: {  	s0 =	sand.u32 $0x1, s1  }
0x4: {  	s18 =	sshll.u32 s0, $0xA;
	s2 =	sadd.s32 s3, s2  }
0x5: {  	s2 =	sadd.s32 s2, s18  }
0x6: {  	[smem:$0x3FC6] =	sst s2  }
0x7: {  	_ = 	snop  }
0x8: {  	s2 =	sld [smem:$0x3FD0];
	(tm) =	ssettm $0x1  }
0x9: {  	s19 =	sld [smem:$0x3FFB];
	_ =	sdelay $0x3  }
0xa: {  	_ =	strace s19  }
0xb: {  	s3 =	sld [smem:$0x3FFC];
	_ =	sdelay $0x3  }
0xc: {  	_ =	strace s3  }
0xd: {  	s3 =	sld [smem:$0x3FFD];
	_ =	sdelay $0x3  }
0xe: {  	_ =	strace s3  }
0xf: {  	_ =	strace $0x8FFFFFFF  }
0x10: {  	s20 =	sld [smem:$0x3FDB];
	_ =	sdelay $0x1  }
0x11: {  	s4 =	simm.s32 $_scs_section_size  }
0x12: {  	s5 =	simm.s32 $_size__tile_overlayer_lowered;
	s6 =	simm.s32 $_tile_overlayer_lowered  }
0x13: {  	s23 =	simm.s32 $0x1BFF;
	s22 =	sshll.u32 s6, $0x1;
	s3 =	sadd.s32 s4, s20  }
0x14: {  	s7 =	simm.s32 $0x0;
	s21 =	sshll.u32 s5, $0x1;
	s5 =	sadd.s32 s22, s3  }
0x15: {  	[timem:s7], [sflag:s23] =	dma.local [hbm:s5], s21  }
0x16: {  	_ =	swait.ge [sflag:s23], s21  }
0x17: {  	s4 =	ssub.s32 $0x0, s21;
	[sflag:s23] =	ssyncset.done $0x0  }
0x18: {  	[sflag:s23] =	ssyncadd.s32 s4;
	_ =	sdelay $0x1  }
0x19: {  	s24 =	simm.s32 $0x1B8B  }
0x1a: {  	_ =	swait.ge [sflag:s24], $0x1  }
0x1b: {  	[sflag:s24] =	ssyncset.done $0x0  }
0x1c: {  	s26 =	simm.s32 $0x1B8E;
	s25 =	sld [smem:$0x3FFE];
	[sflag:s24] =	ssyncadd.s32 $0xFFFFFFFF  }
0x1d: {  	s27 =	simm.s32 $execute0_lowered;
	[smem:$0x3FD2] =	sst s26  }
0x1e: {  	s5 =	sshll.u32 s27, $0x1;
	_ =	strace $0x80000049;
	[dreg:$0x1] =	wrdreg $0xFFFFFFFF  }
0x1f: {  	s28 =	simm.s32 $_size_execute0_lowered;
	s3 =	sadd.s32 s3, s5;
	[dreg:$0x0] =	wrdreg $0x0  }
0x20: {  	s5 =	sshll.u32 s28, $0x1;
	[dreg:$0x2] =	wrdreg s3  }
0x21: {  	[dreg:$0x3] =	wrdreg s5  }
0x22: {  	[dreg:$0x4] =	wrdreg $0xC0  }
0x23: {  	_ =	task [dreg:s7], $0x5FFFF  }
0x24: {  	[dreg:$0x1] =	wrdreg $0xFFFFFFFF  }
0x25: {  	[dreg:$0x0] =	wrdreg $0x60  }
0x26: {  	[dreg:$0x2] =	wrdreg s25  }
0x27: {  	[dreg:$0x3] =	wrdreg s2  }
0x28: {  	[dreg:$0x4] =	wrdreg $0x9  }
0x29: {  	_ =	task.clear_ibuf [dreg:s7], $0x5FFFF;
	_ =	strace $0x90000049  }
0x2a: {  	s29 =	simm.s32 $0x9;
	_ =	strace $0x8000004B  }
0x2b: {  	_ =	swait.ge [sflag:s29], $0x1  }
0x2c: {  	[sflag:s29] =	ssyncadd.s32 $0xFFFFFFFF  }
0x2d: {  	_ =	strace $0x9000004B  }
0x2e: {  	_ =	sfence  }
0x2f: {  	s30 =	sld [smem:$0x0];
	_ =	sdelay $0x2  }
0x30: {  	s31 =	sshll.u32 s1, $0xD;
	s1 =	sshrl.u32 s1, $0x2  }
0x31: {  	s3 =	sand.u32 $0x4000, s31;
	s1 =	sadd.s32 s1, s30  }
0x32: {  	s0 =	sor.u32 s3, s0;
	s1 =	sshll.u32 s1, $0x11  }
0x33: {  	s0 =	sor.u32 s1, s0  }
0x34: {  	s0 =	sadd.s32 $0x8F2B, s0  }
0x35: {  	[sflag:s0] =	ssyncadd.remote.s32 $0x1  }
0x36: {  	_ =	sfence.sel $0xFFFF  }
0x37: {  	[dreg:$0x0] =	wrdreg $0xFFFFFFFF;
	(pc) =	sbr.abs _section_cstart, $3  }
0x38: {  	[dreg:$0x1] =	wrdreg $0xFFFFFFFF  }
0x39: {  	_ =	task.clear_ibuf [dreg:s7], $0x2FFFF;
	_ =	strace $0x9FFFFFFF  }
0x3a: {  	(tm) =	ssettm $0x7FFFFFFF  }
0x3b: {  	_ =	shalt  }
tec
execute0_lowered:
.L_overlay_start_1:
0x0: {  	(tag) =	ssettag $0x1  }
0x1: {  	s0 =	srdreg.scid  }
0x2: {  	s1 =	sshll.u32 s0, $0x4  }
0x3: {  	s0 =	stileid.u32;
	s1 =	sand.u32 $0x10, s1  }
0x4: {  	s1 =	sor.u32 s0, s1  }
0x5: {  	s6 =	rddreg [dreg:$0x0];
	s4 =	simm.s32 $0x1;
	s2 =	sshll.u32 s1, $0x7  }
0x6: {  	s7 =	simm.s32 $0x2;
	s12 =	simm.s32 $0x0;
	s1 =	ssub.s32 $0x4000, s2  }
0x7: {  	s8 =	simm.s32 $0x20000;
	s13 =	simm.s32 $0x0;
	s3 =	sand.u32 $0xF80, s1  }
0x8: {  	s9 =	simm.s32 $0x0;
	s5 =	sshrl.u32 s1, $0xC;
	p0 =	sne.s32 s3, $0x0  }
.Ltmp0:
0x9: {  	s1 =	rddreg [dreg:$0x2];
	s4 =	simm.s32 @!p0 $0x0;
	(pc) =	sbr.rel .LBB1_1-.Ltmp0, $4  }
0xa: {  	s11 =	simm.s32 $0x0;
	s3 =	rddreg [dreg:$0x1];
	s5 =	sadd.s32 s4, s5  }
0xb: {  	_ =	strace $0x8000004A;
	s4 =	simm.s32 $0x1;
	s5 =	smul.u32 $0x14, s5  }
0xc: {  	s6 =	sadd.s32 $0x800, s6;
	s10 =	smov.u32 s2;
	[sflag:s4] =	ssyncpa.u1 $0x0  }
0xd: {  	p0 =	por $0x0, $0x0;
	[sflag:s7] =	ssyncpa.u1 $0x0;
	s7 =	sor.u32 $0x1, s5  }
.LBB1_4:
0xe: {  	s16 =	sshll.u32 s13, $0x3;
	s17 =	sand.u32 $0x78, s13  }
0xf: {  	s30 =	sand.u32 $0x1F800, s13;
	s12 =	sshll.u32 s12, $0x11;
	s16 =	sand.u32 $0x3C00, s16  }
0x10: {  	[tilespmem:s15+$0x810 ss:$0x81] =	vst.msk $0xffff, v2;
	s31 =	sand.u32 $0x7, s13;
	s16 =	sor.u32 s17, s16;
	s17 =	sadd.s32 s3, s30  }
0x11: {  	[tilespmem:s15+$0x1020 ss:$0x81] =	vst.msk $0xffff, v0;
	s13 =	sshll.u32 s31, $0x12;
	s12 =	sadd.s32 s12, s17;
	s16 =	sshrl.u32 s16, $0x3  }
0x12: {  	[tilespmem:s15+$0x0 ss:$0x81] =	vst.msk $0xffff, v1;
	s13 =	sor.u32 $0x400, s13;
	s12 =	sadd.s32 s16, s12  }
0x13: {  	[hbm4b:s12+s13] =	stream.strided.scatter [tilespmem:s14], [sflag:$0x2], $0x2000, s8, s13, $0x20;
	[tilespmem:$0x8080] =	vst v63  }
.LBB1_5:
0x14: {  	s14 =	sadd.s32 $0x1, s9  }
0x15: {  	s12 =	sadd.s32 $0x1000, s10;
	s16 =	smov.u32 s10;
	p2 =	sgt.s32 s14, $0x13  }
0x16: {  	s16 =	smov.u32 @p2 s12  }
0x17: {  	s14 =	simm.s32 @p2 $0x0;
	p2 =	sgt.s32 s16, $0x3FFF  }
0x18: {  	s16 =	smov.u32 @p2 s2;
	p2 =	sne.s32 s11, s7  }
.Ltmp1:
0x19: {  	p1 =	slt.u32 s11, $0x2;
	(pc) =	sbr.rel @!p2 .LBB1_6-.Ltmp1, $4  }
0x1a: {  	s15 =	simm.s32 @!p1 $0x2  }
0x1b: {  	s13 =	smov.u32 s10;
	p0 =	por !p0, !p0;
	_ =	swait.ge @!p1 [sflag:s15], $0x2000  }
0x1c: {  	s12 =	smov.u32 s9;
	[sflag:s15] =	ssyncset.done @!p1 $0x0;
	s9 =	smov.u32 s14  }
0x1d: {  	s11 =	sadd.s32 $0x1, s11;
	[sflag:s15] =	ssyncadd.s32 @!p1 $0xFFFFE000;
	s10 =	smov.u32 s16  }
.LBB1_1:
0x1e: {  	p1 =	sge.u32 s11, s5  }
0x1f: {  	s14 =	sand.u32 @!p1 $0x1FFFFFF, s9  }
0x20: {  	s15 =	smulhi.u32 @!p1 $0xAAAAAAB, s14;
	_ =	sdelay $0x1  }
0x21: {  	s15 =	smul.u32 @!p1 $0x18, s15  }
0x22: {  	s16 =	sxor.u32 @!p1 $0xFFFFFFFF, s11;
	s17 =	smul.u32 @!p1 $0x180, s10  }
0x23: {  	s31 =	sadd.s32 $0xFFFFFFFF, s11;
	s16 =	sshll.u32 @!p1 s16, $0xD;
	s14 =	ssub.s32 @!p1 s14, s15  }
0x24: {  	s15 =	sand.u32 @!p1 $0x2000, s16;
	s16 =	sadd.s32 @!p1 s6, s17;
	s14 =	sshll.u32 @!p1 s14, $0x4  }
0x25: {  	s17 =	simm.s32 @!p1 $0xC00;
	s14 =	sadd.s32 @!p1 s14, s16;
	s16 =	simm.s32 @!p1 $0x40  }
0x26: {  	[tilespmem:s15], [sflag:$0x1] =	stream.strided.gather @!p1 [hbm4b:s14+s16], $0x2000, s17, s16, $0x38;
	[tilespmem:$0x8080] =	vst v63  }
0x27: {  	p1 =	sge.u32 s31, s5  }
.Ltmp2:
0x28: {  	_ = 	snop;
	(pc) =	sbr.rel @p1 .LBB1_5-.Ltmp2, $1  }
0x29: {  	_ =	sdelay $0x3  }
0x2a: {  	s14 =	simm.s32 $0x1  }
0x2b: {  	_ =	swait.ge [sflag:s4], $0x2000;
	s14 =	simm.s32 @!p0 $0x0  }
0x2c: {  	[sflag:s4] =	ssyncset.done $0x0;
	s15 =	sshll.u32 s14, $0xD  }
0x2d: {  	[sflag:s4] =	ssyncadd.s32 $0xFFFFE000;
	s18 =	sor.u32 $0x20, s15  }
0x2e: {  	s14 =	smul.u32 $0x8100, s14;
	v3 =	vld [tilespmem:s18+$0x10]  }
0x2f: {  	s30 =	sand.u32 $0x1, s11;
	v2 =	vld [tilespmem:s18+$0xFFFFFFF0]  }
0x30: {  	s15 =	smul.u32 $0x8100, s30;
	s14 =	sshrl.u32 s14, $0x2;
	v0 =	vld [tilespmem:s18+$0x0]  }
0x31: {  	v1 =	vld [tilespmem:s18+$0xFFFFFFE0];
	s16 =	sor.u32 $0x4000, s14  }
0x32: {  	s31 =	sshrl.u32 s15, $0x2;
	s15 =	sadd.s32 $0x0, s16  }
0x33: {  	s17 =	simm.s32 $0x4;
	s18 =	sadd.s32 $0x40, s18;
	s14 =	sor.u32 $0x4000, s31;
	[tilespmem:s15+$0x1830 ss:$0x81] =	vst.msk $0xffff, v3  }
.LBB1_3:
0x34: {  	v3 =	vld [tilespmem:s18+$0x10];
	p1 =	sne.s32 s17, $0x1FC;
	[tilespmem:s15+$0x810 ss:$0x81] =	vst.msk $0xffff, v2;
	s19 =	smov.u32 s17;
	s17 =	sadd.s32 $0x4, s17  }
.Ltmp3:
0x35: {  	v2 =	vld [tilespmem:s18+$0xFFFFFFF0];
	[tilespmem:s15+$0x1020 ss:$0x81] =	vst.msk $0xffff, v0;
	(pc) =	sbr.rel @p1 .LBB1_3-.Ltmp3, $4  }
0x36: {  	v0 =	vld [tilespmem:s18+$0x0];
	[tilespmem:s15+$0x0 ss:$0x81] =	vst.msk $0xffff, v1  }
0x37: {  	s15 =	sshra.s32 s19, $0x2;
	v1 =	vld [tilespmem:s18+$0xFFFFFFE0]  }
0x38: {  	s15 =	sadd.s32 s15, s16  }
0x39: {  	s18 =	sadd.s32 $0x40, s18;
	[tilespmem:s15+$0x1830 ss:$0x81] =	vst.msk $0xffff, v3  }
.Ltmp4:
0x3a: {  	_ = 	snop;
	(pc) =	sbr.rel .LBB1_4-.Ltmp4, $1  }
0x3b: {  	_ =	sdelay $0x3  }
.LBB1_6:
0x3c: {  	_ =	sfence.sel $0x180000  }
0x3d: {  	s2 =	simm.s32 $0x1;
	[bflag:$0x0] =	sbarrier.arrive $0xFFFF  }
0x3e: {  	s31 =	simm.s32 $0x2;
	[sflag:s2] =	ssyncpa.u1 $0x1  }
0x3f: {  	[sflag:s31] =	ssyncpa.u1 $0x1  }
0x40: {  	p0 =	sne.s32 s0, $0x0;
	_ =	strace $0x9000004A  }
0x41: {  	s0 =	sadd.s32 @!p0 $0x100000, s1;
	[bflag:$0x2] =	sbarrier.arrive $0xFFFF  }
0x42: {  	[sflag:s0] =	ssyncadd.tile.s32 @!p0 $0x1;
	_ =	shalt  }
.Lfunc_end1:
_tile_overlayer_lowered:
.L_overlay_start_2:
0x43: {  	(tag) =	ssettag $0x2  }
0x44: {  	s0 =	rddreg [dreg:$0x0];
	s2 =	stileid.u32  }
0x45: {  	s1 =	rddreg [dreg:$0x1];
	p0 =	sne.s32 s2, $0x0  }
0x46: {  	s3 =	rddreg [dreg:$0x2];
	[bflag:$0x3] =	sbarrier.arrive $0xFFFF;
	s2 =	simm.s32 @!p0 $0x1C01  }
0x47: {  	[timem:s3], [sflag:s2] =	dma.local @!p0 [hbm:s0], s1  }
0x48: {  	s0 =	simm.s32 @!p0 $0x1  }
0x49: {  	_ =	swait.ge @!p0 [sflag:s0], s1  }
0x4a: {  	s1 =	ssub.s32 @!p0 $0x0, s1;
	[sflag:s0] =	ssyncset.done @!p0 $0x0  }
0x4b: {  	[sflag:s0] =	ssyncadd.s32 @!p0 s1  }
0x4c: {  	[bflag:$0x3] =	sbarrier.arrive $0xFFFF  }
0x4d: {  	_ =	shalt  }

</sc_bundles>
